<compile_context>
chip_gen: v7x
topology: tpu7x:2x2x1
jax: 0.10.2.dev20260603
libtpu: 0.0.44.dev20260713+nightly
codegen_flags: <defaults>
</compile_context>

<pallas_src>
import jax
import jax.numpy as jnp
from jax import lax
from jax.experimental import pallas as pl
from jax.experimental.pallas import tpu as pltpu
from jax.experimental.pallas import tpu_sc as plsc

N = 10000
D = 128
E = 320000
NC = 2
NS = 16
NW = NC * NS
CHUNK = 128
CPT = 80
E_PAD = NW * CPT * CHUNK
PASS_SZ = (40, 40)
N_PAD = 10368
ACC_R = 10112
ART = ACC_R // NS
RPT = N_PAD // NS

_MESH = plsc.VectorSubcoreMesh(core_axis_name="c", subcore_axis_name="s")


def _hist_body(col_hbm, z_hbm, ones_hbm, out, dacc, idx_c, ones_v, sem):
    c = lax.axis_index("c")
    s = lax.axis_index("s")
    w = c * NS + s
    pltpu.sync_copy(col_hbm.at[w], idx_c)
    pltpu.sync_copy(ones_hbm, ones_v)
    r0 = s * RPT
    pltpu.sync_copy(z_hbm.at[pl.ds(r0, RPT)], dacc.at[pl.ds(r0, RPT)])
    plsc.subcore_barrier()

    def body(j, carry):
        pltpu.sync_copy(ones_v, dacc.at[idx_c.at[j]], add=True)
        return carry

    lax.fori_loop(0, CPT, body, 0)
    plsc.subcore_barrier()
    pltpu.sync_copy(dacc.at[pl.ds(r0, RPT)], out.at[c, pl.ds(r0, RPT)])


_hist = pl.kernel(
    _hist_body,
    out_type=jax.ShapeDtypeStruct((NC, N_PAD, D), jnp.float32),
    mesh=_MESH,
    scratch_types=[
        pltpu.VMEM_SHARED((N_PAD, D), jnp.float32),
        pltpu.VMEM((CPT, CHUNK), jnp.int32),
        pltpu.VMEM((CHUNK, D), jnp.float32),
        pltpu.SemaphoreType.DMA,
    ],
)


def _hop_body(g_hbm, row_hbm, col_hbm, gh_hbm, out, acc, idx_r, idx_c,
              buf0, buf1, sem0, sem1):
    c = lax.axis_index("c")
    s = lax.axis_index("s")
    w = c * NS + s
    r0 = s * ART
    pltpu.sync_copy(gh_hbm.at[pl.ds(r0, ART)], acc.at[pl.ds(r0, ART)])
    plsc.subcore_barrier()

    def make_body(sz):
        def body(k, carry):
            j0 = 2 * k
            j1 = j0 + 1
            j2 = j0 + 2

            pltpu.async_copy(g_hbm.at[idx_r.at[j1]], buf1, sem1)
            pltpu.make_async_copy(g_hbm.at[idx_r.at[j0]], buf0, sem0).wait()
            pltpu.sync_copy(buf0, acc.at[idx_c.at[j0]], add=True)

            @pl.when(j2 < sz)
            def _():
                pltpu.async_copy(g_hbm.at[idx_r.at[j2]], buf0, sem0)

            pltpu.make_async_copy(g_hbm.at[idx_r.at[j1]], buf1, sem1).wait()
            pltpu.sync_copy(buf1, acc.at[idx_c.at[j1]], add=True)
            return carry
        return body

    base = 0
    for sz in PASS_SZ:
        pltpu.sync_copy(row_hbm.at[w, pl.ds(base, sz)], idx_r.at[pl.ds(0, sz)])
        pltpu.sync_copy(col_hbm.at[w, pl.ds(base, sz)], idx_c.at[pl.ds(0, sz)])
        pltpu.async_copy(g_hbm.at[idx_r.at[0]], buf0, sem0)
        lax.fori_loop(0, sz // 2, make_body(sz), 0)
        base += sz

    plsc.subcore_barrier()
    pltpu.sync_copy(acc.at[pl.ds(r0, ART)], out.at[c, pl.ds(r0, ART)])


_hop = pl.kernel(
    _hop_body,
    out_type=jax.ShapeDtypeStruct((NC, N_PAD, D), jnp.float32),
    mesh=_MESH,
    scratch_types=[
        pltpu.VMEM_SHARED((ACC_R, D), jnp.float32),
        pltpu.VMEM((PASS_SZ[0], CHUNK), jnp.int32),
        pltpu.VMEM((PASS_SZ[0], CHUNK), jnp.int32),
        pltpu.VMEM((CHUNK, D), jnp.float32),
        pltpu.VMEM((CHUNK, D), jnp.float32),
        pltpu.SemaphoreType.DMA,
        pltpu.SemaphoreType.DMA,
    ],
)


def _dinv_block(dg_ref):
    deg = dg_ref[0, :, 0] + dg_ref[1, :, 0] + 1.0
    return 1.0 / jnp.sqrt(deg)


def _scale0_body(dg_ref, x_ref, o_ref, oh_ref):
    dinv = _dinv_block(dg_ref)
    v = x_ref[...] * dinv[:, None]
    o_ref[...] = v
    oh_ref[...] = 0.5 * v


def _mid_body(dg_ref, p_ref, o_ref, oh_ref):
    dinv = _dinv_block(dg_ref)
    v = (p_ref[0] + p_ref[1]) * (dinv * dinv)[:, None]
    o_ref[...] = v
    oh_ref[...] = 0.5 * v


def _final_body(dg_ref, p_ref, w_ref, b_ref, o_ref):
    dinv = _dinv_block(dg_ref)
    h = (p_ref[0] + p_ref[1]) * dinv[:, None]
    z = jnp.dot(h, w_ref[...], preferred_element_type=jnp.float32) + b_ref[...]
    m = jnp.max(z, axis=1, keepdims=True)
    zz = z - m
    lse = jnp.log(jnp.sum(jnp.exp(zz), axis=1, keepdims=True))
    o_ref[...] = zz - lse


_BR = 576
_deg_spec = pl.BlockSpec((NC, _BR, D), lambda i: (0, i, 0))
_row_spec = pl.BlockSpec((_BR, D), lambda i: (i, 0))
_p_spec = pl.BlockSpec((NC, _BR, D), lambda i: (0, i, 0))

_scale0 = pl.pallas_call(
    _scale0_body,
    grid=(N_PAD // _BR,),
    in_specs=[_deg_spec, _row_spec],
    out_specs=(_row_spec, _row_spec),
    out_shape=(jax.ShapeDtypeStruct((N_PAD, D), jnp.float32),
               jax.ShapeDtypeStruct((N_PAD, D), jnp.float32)),
)

_mid = pl.pallas_call(
    _mid_body,
    grid=(N_PAD // _BR,),
    in_specs=[_deg_spec, _p_spec],
    out_specs=(_row_spec, _row_spec),
    out_shape=(jax.ShapeDtypeStruct((N_PAD, D), jnp.float32),
               jax.ShapeDtypeStruct((N_PAD, D), jnp.float32)),
)

_BF = 400
_final = pl.pallas_call(
    _final_body,
    grid=(N // _BF,),
    in_specs=[
        pl.BlockSpec((NC, _BF, D), lambda i: (0, i, 0)),
        pl.BlockSpec((NC, _BF, D), lambda i: (0, i, 0)),
        pl.BlockSpec((D, D), lambda i: (0, 0)),
        pl.BlockSpec((1, D), lambda i: (0, 0)),
    ],
    out_specs=pl.BlockSpec((_BF, D), lambda i: (i, 0)),
    out_shape=jax.ShapeDtypeStruct((N, D), jnp.float32),
)


def kernel(x, edge_index, W, b):
    padn = E_PAD - E
    pad_seq = jnp.arange(padn, dtype=jnp.int32)
    row_pad = N + pad_seq % (ACC_R - N)
    colh_pad = pad_seq % ACC_R
    cold_pad = N + pad_seq % (N_PAD - N)

    row3 = jnp.concatenate([edge_index[0], row_pad]).reshape(NW, CPT, CHUNK)
    colh3 = jnp.concatenate([edge_index[1], colh_pad]).reshape(NW, CPT, CHUNK)
    cold3 = jnp.concatenate([edge_index[1], cold_pad]).reshape(NW, CPT, CHUNK)
    x_pad = jnp.pad(x, ((0, N_PAD - N), (0, 0)))
    z128 = jnp.zeros((N_PAD, D), jnp.float32)
    ones128 = jnp.ones((CHUNK, D), jnp.float32)

    dg = _hist(cold3, z128, ones128)
    g0, g0h = _scale0(dg, x_pad)
    p1 = _hop(g0, row3, colh3, g0h)
    g1, g1h = _mid(dg, p1)
    p2 = _hop(g1, row3, colh3, g1h)
    return _final(dg, p2, W, b.reshape(1, D))

# --- scband reference (transcript-rebuilt; emitter-appended) ---
"""Pipeline reference for scband-sgc-29386166239456 (READ-ONLY COPY).

The authoritative reference and input builder live on the scoring server;
editing this copy changes nothing except your own understanding.
"""

import jax, jax.numpy as jnp
import numpy as np

N = 10000
D_IN = 128
D_OUT = 128
E = 320000
K = 2


def setup_inputs(seed: int = 0) -> dict:
    key = jax.random.key(seed)
    k1, k2, k3 = jax.random.split(key, 3)
    x = jax.random.normal(k1, (N, D_IN), dtype=jnp.float32)
    edge_index = jax.random.randint(k2, (2, E), 0, N, dtype=jnp.int32)
    W = jax.random.normal(k3, (D_IN, D_OUT), dtype=jnp.float32) * 0.05
    b = jnp.zeros((D_OUT,), dtype=jnp.float32)
    return {"x": x, "edge_index": edge_index, "W": W, "b": b}


def _gcn_norm(edge_index, num_nodes):
    row, col = edge_index[0], edge_index[1]
    loop = jnp.arange(num_nodes, dtype=row.dtype)
    row = jnp.concatenate([row, loop])
    col = jnp.concatenate([col, loop])
    w = jnp.ones(row.shape[0], dtype=jnp.float32)
    deg = jax.ops.segment_sum(w, col, num_segments=num_nodes)
    dinv = jnp.where(deg > 0, 1.0 / jnp.sqrt(deg), 0.0)
    norm = dinv[row] * w * dinv[col]
    return row, col, norm


def reference(x, edge_index, W, b):
    # dropout is identity in eval mode
    num_nodes = x.shape[0]
    row, col, norm = _gcn_norm(edge_index, num_nodes)
    h = x
    for _ in range(K):  # SGConv with K=2: (D^-1/2 A_hat D^-1/2)^2 x
        msg = norm[:, None] * h[row]
        h = jax.ops.segment_sum(msg, col, num_segments=num_nodes)
    out = h @ W + b
    return jax.nn.log_softmax(out, axis=1)

if __name__ == "__main__":
    import jax
    _d = setup_inputs()
    print(jax.jit(kernel)(*tuple(_d.values())))

</pallas_src>

<mosaic_0001>
#map = affine_map<(d0, d1) -> (0, 0)>
#map1 = affine_map<(d0, d1) -> (0, 0, 0)>
module attributes {stable_mosaic.version = 14 : i64} {
  func.func @_hop_body(%arg0: i32, %arg1: i32, %arg2: memref<10368x128xf32, #tpu.memory_space<hbm>>, %arg3: memref<32x80x128xi32, #tpu.memory_space<hbm>>, %arg4: memref<32x80x128xi32, #tpu.memory_space<hbm>>, %arg5: memref<10368x128xf32, #tpu.memory_space<hbm>>, %arg6: memref<2x10368x128xf32, #tpu.memory_space<hbm>>, %arg7: memref<10112x128xf32, #tpu.memory_space<vmem_shared>>, %arg8: memref<40x128xi32, #tpu.memory_space<vmem>>, %arg9: memref<40x128xi32, #tpu.memory_space<vmem>>, %arg10: memref<128x128xf32, #tpu.memory_space<vmem>>, %arg11: memref<128x128xf32, #tpu.memory_space<vmem>>, %arg12: memref<!tpu.dma_semaphore, #tpu.memory_space<semaphore_mem>>, %arg13: memref<!tpu.dma_semaphore, #tpu.memory_space<semaphore_mem>>) attributes {dimension_semantics = [#tpu.dimension_semantics<core_parallel>, #tpu.dimension_semantics<subcore_parallel>], iteration_bounds = array<i64: 2, 16>, scalar_prefetch = 0 : i64, scratch_operands = 7 : i64, tpu.core_type = #tpu.core_type<sc_vector_subcore>, window_params = [{transform_indices = #map}, {transform_indices = #map1}, {transform_indices = #map1}, {transform_indices = #map}, {transform_indices = #map1}]} {
    %mul3A = arith.constant 16 : i32
    %mul3A_0 = arith.muli %arg0, %mul3A : i32
    %add3A = arith.addi %mul3A_0, %arg1 : i32
    %mul3A_1 = arith.constant 632 : i32
    %mul3A_2 = arith.muli %arg1, %mul3A_1 : i32
    "tpu.region"() ({
      %run_scoped3A = tpu.sem_alloc : memref<!tpu.dma_semaphore, #tpu.memory_space<semaphore_mem>>
      %dma_start3A_28 = arith.constant 0 : i32
      %dma_start3A_29 = tpu.memref_slice %arg7[%mul3A_2, %dma_start3A_28] : memref<10112x128xf32, #tpu.memory_space<vmem_shared>> -> memref<632x128xf32, #tpu.memory_space<vmem_shared>>
      %dma_start3A_30 = arith.constant 0 : i32
      %dma_start3A_31 = tpu.memref_slice %arg5[%mul3A_2, %dma_start3A_30] : memref<10368x128xf32, #tpu.memory_space<hbm>> -> memref<632x128xf32, #tpu.memory_space<hbm>>
      tpu.enqueue_dma source(%dma_start3A_31 : memref<632x128xf32, #tpu.memory_space<hbm>>) target(%dma_start3A_29 : memref<632x128xf32, #tpu.memory_space<vmem_shared>>) target_semaphore(%run_scoped3A : memref<!tpu.dma_semaphore, #tpu.memory_space<semaphore_mem>>)
      %dma_wait3A = arith.constant 0 : i32
      %dma_wait3A_32 = tpu.memref_slice %arg7[%mul3A_2, %dma_wait3A] : memref<10112x128xf32, #tpu.memory_space<vmem_shared>> -> memref<632x128xf32, #tpu.memory_space<vmem_shared>>
      %dma_wait3A_33 = arith.constant 0 : i32
      %dma_wait3A_34 = tpu.memref_slice %arg5[%mul3A_2, %dma_wait3A_33] : memref<10368x128xf32, #tpu.memory_space<hbm>> -> memref<632x128xf32, #tpu.memory_space<hbm>>
      tpu.wait_dma2 semaphore(%run_scoped3A : memref<!tpu.dma_semaphore, #tpu.memory_space<semaphore_mem>>) src(%dma_wait3A_34 : memref<632x128xf32, #tpu.memory_space<hbm>>) dst(%dma_wait3A_32 : memref<632x128xf32, #tpu.memory_space<vmem_shared>>)
      tpu.yield
    }) : () -> ()
    %barrier3A = arith.constant 0 : index
    tpu.barrier barrier_id(%barrier3A)
    "tpu.region"() ({
      %run_scoped3A = tpu.sem_alloc : memref<!tpu.dma_semaphore, #tpu.memory_space<semaphore_mem>>
      %dma_start3A_28 = arith.constant 0 : i32
      %dma_start3A_29 = arith.constant 0 : i32
      %dma_start3A_30 = tpu.memref_slice %arg8[%dma_start3A_28, %dma_start3A_29] : memref<40x128xi32, #tpu.memory_space<vmem>> -> memref<40x128xi32, #tpu.memory_space<vmem>>
      %dma_start3A_31 = arith.constant 0 : i32
      %dma_start3A_32 = arith.constant 0 : i32
      %dma_start3A_33 = tpu.memref_slice %arg3[%add3A, %dma_start3A_31, %dma_start3A_32] : memref<32x80x128xi32, #tpu.memory_space<hbm>> -> memref<1x40x128xi32, #tpu.memory_space<hbm>>
      %dma_start3A_34 = tpu.memref_squeeze %dma_start3A_33 : memref<1x40x128xi32, #tpu.memory_space<hbm>> -> memref<40x128xi32, #tpu.memory_space<hbm>>
      %dma_start3A_35 = arith.constant 0 : i32
      %dma_start3A_36 = arith.constant 0 : i32
      %dma_start3A_37 = tpu.memref_slice %arg8[%dma_start3A_35, %dma_start3A_36] : memref<40x128xi32, #tpu.memory_space<vmem>> -> memref<40x128xi32, #tpu.memory_space<vmem>>
      %dma_start3A_38 = arith.constant 0 : i32
      %dma_start3A_39 = arith.constant 0 : i32
      %dma_start3A_40 = tpu.memref_slice %arg3[%add3A, %dma_start3A_38, %dma_start3A_39] : memref<32x80x128xi32, #tpu.memory_space<hbm>> -> memref<1x40x128xi32, #tpu.memory_space<hbm>>
      %dma_start3A_41 = tpu.memref_squeeze %dma_start3A_40 : memref<1x40x128xi32, #tpu.memory_space<hbm>> -> memref<40x128xi32, #tpu.memory_space<hbm>>
      tpu.enqueue_dma source(%dma_start3A_41 : memref<40x128xi32, #tpu.memory_space<hbm>>) target(%dma_start3A_37 : memref<40x128xi32, #tpu.memory_space<vmem>>) target_semaphore(%run_scoped3A : memref<!tpu.dma_semaphore, #tpu.memory_space<semaphore_mem>>)
      %dma_wait3A = arith.constant 0 : i32
      %dma_wait3A_42 = arith.constant 0 : i32
      %dma_wait3A_43 = tpu.memref_slice %arg8[%dma_wait3A, %dma_wait3A_42] : memref<40x128xi32, #tpu.memory_space<vmem>> -> memref<40x128xi32, #tpu.memory_space<vmem>>
      %dma_wait3A_44 = arith.constant 0 : i32
      %dma_wait3A_45 = arith.constant 0 : i32
      %dma_wait3A_46 = tpu.memref_slice %arg3[%add3A, %dma_wait3A_44, %dma_wait3A_45] : memref<32x80x128xi32, #tpu.memory_space<hbm>> -> memref<1x40x128xi32, #tpu.memory_space<hbm>>
      %dma_wait3A_47 = tpu.memref_squeeze %dma_wait3A_46 : memref<1x40x128xi32, #tpu.memory_space<hbm>> -> memref<40x128xi32, #tpu.memory_space<hbm>>
      %dma_wait3A_48 = arith.constant 0 : i32
      %dma_wait3A_49 = arith.constant 0 : i32
      %dma_wait3A_50 = tpu.memref_slice %arg8[%dma_wait3A_48, %dma_wait3A_49] : memref<40x128xi32, #tpu.memory_space<vmem>> -> memref<40x128xi32, #tpu.memory_space<vmem>>
      %dma_wait3A_51 = arith.constant 0 : i32
      %dma_wait3A_52 = arith.constant 0 : i32
      %dma_wait3A_53 = tpu.memref_slice %arg3[%add3A, %dma_wait3A_51, %dma_wait3A_52] : memref<32x80x128xi32, #tpu.memory_space<hbm>> -> memref<1x40x128xi32, #tpu.memory_space<hbm>>
      %dma_wait3A_54 = tpu.memref_squeeze %dma_wait3A_53 : memref<1x40x128xi32, #tpu.memory_space<hbm>> -> memref<40x128xi32, #tpu.memory_space<hbm>>
      tpu.wait_dma2 semaphore(%run_scoped3A : memref<!tpu.dma_semaphore, #tpu.memory_space<semaphore_mem>>) src(%dma_wait3A_54 : memref<40x128xi32, #tpu.memory_space<hbm>>) dst(%dma_wait3A_50 : memref<40x128xi32, #tpu.memory_space<vmem>>)
      tpu.yield
    }) : () -> ()
    "tpu.region"() ({
      %run_scoped3A = tpu.sem_alloc : memref<!tpu.dma_semaphore, #tpu.memory_space<semaphore_mem>>
      %dma_start3A_28 = arith.constant 0 : i32
      %dma_start3A_29 = arith.constant 0 : i32
      %dma_start3A_30 = tpu.memref_slice %arg9[%dma_start3A_28, %dma_start3A_29] : memref<40x128xi32, #tpu.memory_space<vmem>> -> memref<40x128xi32, #tpu.memory_space<vmem>>
      %dma_start3A_31 = arith.constant 0 : i32
      %dma_start3A_32 = arith.constant 0 : i32
      %dma_start3A_33 = tpu.memref_slice %arg4[%add3A, %dma_start3A_31, %dma_start3A_32] : memref<32x80x128xi32, #tpu.memory_space<hbm>> -> memref<1x40x128xi32, #tpu.memory_space<hbm>>
      %dma_start3A_34 = tpu.memref_squeeze %dma_start3A_33 : memref<1x40x128xi32, #tpu.memory_space<hbm>> -> memref<40x128xi32, #tpu.memory_space<hbm>>
      %dma_start3A_35 = arith.constant 0 : i32
      %dma_start3A_36 = arith.constant 0 : i32
      %dma_start3A_37 = tpu.memref_slice %arg9[%dma_start3A_35, %dma_start3A_36] : memref<40x128xi32, #tpu.memory_space<vmem>> -> memref<40x128xi32, #tpu.memory_space<vmem>>
      %dma_start3A_38 = arith.constant 0 : i32
      %dma_start3A_39 = arith.constant 0 : i32
      %dma_start3A_40 = tpu.memref_slice %arg4[%add3A, %dma_start3A_38, %dma_start3A_39] : memref<32x80x128xi32, #tpu.memory_space<hbm>> -> memref<1x40x128xi32, #tpu.memory_space<hbm>>
      %dma_start3A_41 = tpu.memref_squeeze %dma_start3A_40 : memref<1x40x128xi32, #tpu.memory_space<hbm>> -> memref<40x128xi32, #tpu.memory_space<hbm>>
      tpu.enqueue_dma source(%dma_start3A_41 : memref<40x128xi32, #tpu.memory_space<hbm>>) target(%dma_start3A_37 : memref<40x128xi32, #tpu.memory_space<vmem>>) target_semaphore(%run_scoped3A : memref<!tpu.dma_semaphore, #tpu.memory_space<semaphore_mem>>)
      %dma_wait3A = arith.constant 0 : i32
      %dma_wait3A_42 = arith.constant 0 : i32
      %dma_wait3A_43 = tpu.memref_slice %arg9[%dma_wait3A, %dma_wait3A_42] : memref<40x128xi32, #tpu.memory_space<vmem>> -> memref<40x128xi32, #tpu.memory_space<vmem>>
      %dma_wait3A_44 = arith.constant 0 : i32
      %dma_wait3A_45 = arith.constant 0 : i32
      %dma_wait3A_46 = tpu.memref_slice %arg4[%add3A, %dma_wait3A_44, %dma_wait3A_45] : memref<32x80x128xi32, #tpu.memory_space<hbm>> -> memref<1x40x128xi32, #tpu.memory_space<hbm>>
      %dma_wait3A_47 = tpu.memref_squeeze %dma_wait3A_46 : memref<1x40x128xi32, #tpu.memory_space<hbm>> -> memref<40x128xi32, #tpu.memory_space<hbm>>
      %dma_wait3A_48 = arith.constant 0 : i32
      %dma_wait3A_49 = arith.constant 0 : i32
      %dma_wait3A_50 = tpu.memref_slice %arg9[%dma_wait3A_48, %dma_wait3A_49] : memref<40x128xi32, #tpu.memory_space<vmem>> -> memref<40x128xi32, #tpu.memory_space<vmem>>
      %dma_wait3A_51 = arith.constant 0 : i32
      %dma_wait3A_52 = arith.constant 0 : i32
      %dma_wait3A_53 = tpu.memref_slice %arg4[%add3A, %dma_wait3A_51, %dma_wait3A_52] : memref<32x80x128xi32, #tpu.memory_space<hbm>> -> memref<1x40x128xi32, #tpu.memory_space<hbm>>
      %dma_wait3A_54 = tpu.memref_squeeze %dma_wait3A_53 : memref<1x40x128xi32, #tpu.memory_space<hbm>> -> memref<40x128xi32, #tpu.memory_space<hbm>>
      tpu.wait_dma2 semaphore(%run_scoped3A : memref<!tpu.dma_semaphore, #tpu.memory_space<semaphore_mem>>) src(%dma_wait3A_54 : memref<40x128xi32, #tpu.memory_space<hbm>>) dst(%dma_wait3A_50 : memref<40x128xi32, #tpu.memory_space<vmem>>)
      tpu.yield
    }) : () -> ()
    %dma_start3A = arith.constant 0 : i32
    %dma_start3A_3 = arith.constant 0 : i32
    %dma_start3A_4 = tpu.memref_slice %arg8[%dma_start3A, %dma_start3A_3] : memref<40x128xi32, #tpu.memory_space<vmem>> -> memref<1x128xi32, #tpu.memory_space<vmem>>
    %dma_start3A_5 = tpu.memref_squeeze %dma_start3A_4 : memref<1x128xi32, #tpu.memory_space<vmem>> -> memref<128xi32, #tpu.memory_space<vmem>>
    %dma_start3A_6 = arith.constant 0 : i32
    %dma_start3A_7 = arith.constant 0 : i32
    %dma_start3A_8 = tpu.memref_slice %arg2[%dma_start3A_6, %dma_start3A_7] : memref<10368x128xf32, #tpu.memory_space<hbm>> -> memref<10368x128xf32, #tpu.memory_space<hbm>>
    tpu.enqueue_indirect_dma source(%dma_start3A_8 : memref<10368x128xf32, #tpu.memory_space<hbm>>) target(%arg10 : memref<128x128xf32, #tpu.memory_space<vmem>>) offsets(%dma_start3A_5 : memref<128xi32, #tpu.memory_space<vmem>>) semaphore(%arg12 : memref<!tpu.dma_semaphore, #tpu.memory_space<semaphore_mem>>)
    %scan3A = arith.constant 0 : i32
    %scan3A_9 = arith.constant 0 : i32
    %scan3A_10 = arith.constant 20 : i32
    %scan3A_11 = arith.addi %scan3A_9, %scan3A_10 : i32
    %scan3A_12 = arith.constant 1 : i32
    scf.for %scan3A_28 = %scan3A_9 to %scan3A_11 step %scan3A_12  : i32 {
      %mul3A_29 = arith.constant 2 : i32
      %mul3A_30 = arith.muli %mul3A_29, %scan3A_28 : i32
      %add3A_31 = arith.constant 1 : i32
      %add3A_32 = arith.addi %mul3A_30, %add3A_31 : i32
      %add3A_33 = arith.constant 2 : i32
      %add3A_34 = arith.addi %mul3A_30, %add3A_33 : i32
      %dma_start3A_35 = arith.constant 0 : i32
      %dma_start3A_36 = tpu.memref_slice %arg8[%add3A_32, %dma_start3A_35] : memref<40x128xi32, #tpu.memory_space<vmem>> -> memref<1x128xi32, #tpu.memory_space<vmem>>
      %dma_start3A_37 = tpu.memref_squeeze %dma_start3A_36 : memref<1x128xi32, #tpu.memory_space<vmem>> -> memref<128xi32, #tpu.memory_space<vmem>>
      %dma_start3A_38 = arith.constant 0 : i32
      %dma_start3A_39 = arith.constant 0 : i32
      %dma_start3A_40 = tpu.memref_slice %arg2[%dma_start3A_38, %dma_start3A_39] : memref<10368x128xf32, #tpu.memory_space<hbm>> -> memref<10368x128xf32, #tpu.memory_space<hbm>>
      tpu.enqueue_indirect_dma source(%dma_start3A_40 : memref<10368x128xf32, #tpu.memory_space<hbm>>) target(%arg11 : memref<128x128xf32, #tpu.memory_space<vmem>>) offsets(%dma_start3A_37 : memref<128xi32, #tpu.memory_space<vmem>>) semaphore(%arg13 : memref<!tpu.dma_semaphore, #tpu.memory_space<semaphore_mem>>)
      %dma_wait3A = arith.constant 0 : i32
      %dma_wait3A_41 = tpu.memref_slice %arg8[%mul3A_30, %dma_wait3A] : memref<40x128xi32, #tpu.memory_space<vmem>> -> memref<1x128xi32, #tpu.memory_space<vmem>>
      %dma_wait3A_42 = tpu.memref_squeeze %dma_wait3A_41 : memref<1x128xi32, #tpu.memory_space<vmem>> -> memref<128xi32, #tpu.memory_space<vmem>>
      %dma_wait3A_43 = arith.constant 0 : i32
      %dma_wait3A_44 = arith.constant 0 : i32
      %dma_wait3A_45 = tpu.memref_slice %arg2[%dma_wait3A_43, %dma_wait3A_44] : memref<10368x128xf32, #tpu.memory_space<hbm>> -> memref<10368x128xf32, #tpu.memory_space<hbm>>
      tpu.wait_indirect_dma semaphore(%arg12 : memref<!tpu.dma_semaphore, #tpu.memory_space<semaphore_mem>>) src(%dma_wait3A_45 : memref<10368x128xf32, #tpu.memory_space<hbm>>) dst(%arg10 : memref<128x128xf32, #tpu.memory_space<vmem>>)
      "tpu.region"() ({
        %run_scoped3A = tpu.sem_alloc : memref<!tpu.dma_semaphore, #tpu.memory_space<semaphore_mem>>
        %dma_start3A_54 = arith.constant 0 : i32
        %dma_start3A_55 = tpu.memref_slice %arg9[%mul3A_30, %dma_start3A_54] : memref<40x128xi32, #tpu.memory_space<vmem>> -> memref<1x128xi32, #tpu.memory_space<vmem>>
        %dma_start3A_56 = tpu.memref_squeeze %dma_start3A_55 : memref<1x128xi32, #tpu.memory_space<vmem>> -> memref<128xi32, #tpu.memory_space<vmem>>
        %dma_start3A_57 = arith.constant 0 : i32
        %dma_start3A_58 = arith.constant 0 : i32
        %dma_start3A_59 = tpu.memref_slice %arg7[%dma_start3A_57, %dma_start3A_58] : memref<10112x128xf32, #tpu.memory_space<vmem_shared>> -> memref<10112x128xf32, #tpu.memory_space<vmem_shared>>
        tpu.enqueue_indirect_dma source(%arg10 : memref<128x128xf32, #tpu.memory_space<vmem>>) target(%dma_start3A_59 : memref<10112x128xf32, #tpu.memory_space<vmem_shared>>) offsets(%dma_start3A_56 : memref<128xi32, #tpu.memory_space<vmem>>) semaphore(%run_scoped3A : memref<!tpu.dma_semaphore, #tpu.memory_space<semaphore_mem>>) {add = true}
        %dma_wait3A_60 = arith.constant 0 : i32
        %dma_wait3A_61 = tpu.memref_slice %arg9[%mul3A_30, %dma_wait3A_60] : memref<40x128xi32, #tpu.memory_space<vmem>> -> memref<1x128xi32, #tpu.memory_space<vmem>>
        %dma_wait3A_62 = tpu.memref_squeeze %dma_wait3A_61 : memref<1x128xi32, #tpu.memory_space<vmem>> -> memref<128xi32, #tpu.memory_space<vmem>>
        %dma_wait3A_63 = arith.constant 0 : i32
        %dma_wait3A_64 = arith.constant 0 : i32
        %dma_wait3A_65 = tpu.memref_slice %arg7[%dma_wait3A_63, %dma_wait3A_64] : memref<10112x128xf32, #tpu.memory_space<vmem_shared>> -> memref<10112x128xf32, #tpu.memory_space<vmem_shared>>
        tpu.wait_indirect_dma semaphore(%run_scoped3A : memref<!tpu.dma_semaphore, #tpu.memory_space<semaphore_mem>>) src(%arg10 : memref<128x128xf32, #tpu.memory_space<vmem>>) dst(%dma_wait3A_65 : memref<10112x128xf32, #tpu.memory_space<vmem_shared>>)
        tpu.yield
      }) : () -> ()
      %lt3A = arith.constant 40 : i32
      %lt3A_46 = arith.cmpi slt, %add3A_34, %lt3A : i32
      %convert_element_type3A = arith.extui %lt3A_46 : i1 to i32
      %cond3A = arith.constant 0 : i32
      %cond3A_47 = arith.cmpi ne, %convert_element_type3A, %cond3A : i32
      scf.if %cond3A_47 {
        %dma_start3A_54 = arith.constant 0 : i32
        %dma_start3A_55 = tpu.memref_slice %arg8[%add3A_34, %dma_start3A_54] : memref<40x128xi32, #tpu.memory_space<vmem>> -> memref<1x128xi32, #tpu.memory_space<vmem>>
        %dma_start3A_56 = tpu.memref_squeeze %dma_start3A_55 : memref<1x128xi32, #tpu.memory_space<vmem>> -> memref<128xi32, #tpu.memory_space<vmem>>
        %dma_start3A_57 = arith.constant 0 : i32
        %dma_start3A_58 = arith.constant 0 : i32
        %dma_start3A_59 = tpu.memref_slice %arg2[%dma_start3A_57, %dma_start3A_58] : memref<10368x128xf32, #tpu.memory_space<hbm>> -> memref<10368x128xf32, #tpu.memory_space<hbm>>
        tpu.enqueue_indirect_dma source(%dma_start3A_59 : memref<10368x128xf32, #tpu.memory_space<hbm>>) target(%arg10 : memref<128x128xf32, #tpu.memory_space<vmem>>) offsets(%dma_start3A_56 : memref<128xi32, #tpu.memory_space<vmem>>) semaphore(%arg12 : memref<!tpu.dma_semaphore, #tpu.memory_space<semaphore_mem>>)
      } else {
      }
      %dma_wait3A_48 = arith.constant 0 : i32
      %dma_wait3A_49 = tpu.memref_slice %arg8[%add3A_32, %dma_wait3A_48] : memref<40x128xi32, #tpu.memory_space<vmem>> -> memref<1x128xi32, #tpu.memory_space<vmem>>
      %dma_wait3A_50 = tpu.memref_squeeze %dma_wait3A_49 : memref<1x128xi32, #tpu.memory_space<vmem>> -> memref<128xi32, #tpu.memory_space<vmem>>
      %dma_wait3A_51 = arith.constant 0 : i32
      %dma_wait3A_52 = arith.constant 0 : i32
      %dma_wait3A_53 = tpu.memref_slice %arg2[%dma_wait3A_51, %dma_wait3A_52] : memref<10368x128xf32, #tpu.memory_space<hbm>> -> memref<10368x128xf32, #tpu.memory_space<hbm>>
      tpu.wait_indirect_dma semaphore(%arg13 : memref<!tpu.dma_semaphore, #tpu.memory_space<semaphore_mem>>) src(%dma_wait3A_53 : memref<10368x128xf32, #tpu.memory_space<hbm>>) dst(%arg11 : memref<128x128xf32, #tpu.memory_space<vmem>>)
      "tpu.region"() ({
        %run_scoped3A = tpu.sem_alloc : memref<!tpu.dma_semaphore, #tpu.memory_space<semaphore_mem>>
        %dma_start3A_54 = arith.constant 0 : i32
        %dma_start3A_55 = tpu.memref_slice %arg9[%add3A_32, %dma_start3A_54] : memref<40x128xi32, #tpu.memory_space<vmem>> -> memref<1x128xi32, #tpu.memory_space<vmem>>
        %dma_start3A_56 = tpu.memref_squeeze %dma_start3A_55 : memref<1x128xi32, #tpu.memory_space<vmem>> -> memref<128xi32, #tpu.memory_space<vmem>>
        %dma_start3A_57 = arith.constant 0 : i32
        %dma_start3A_58 = arith.constant 0 : i32
        %dma_start3A_59 = tpu.memref_slice %arg7[%dma_start3A_57, %dma_start3A_58] : memref<10112x128xf32, #tpu.memory_space<vmem_shared>> -> memref<10112x128xf32, #tpu.memory_space<vmem_shared>>
        tpu.enqueue_indirect_dma source(%arg11 : memref<128x128xf32, #tpu.memory_space<vmem>>) target(%dma_start3A_59 : memref<10112x128xf32, #tpu.memory_space<vmem_shared>>) offsets(%dma_start3A_56 : memref<128xi32, #tpu.memory_space<vmem>>) semaphore(%run_scoped3A : memref<!tpu.dma_semaphore, #tpu.memory_space<semaphore_mem>>) {add = true}
        %dma_wait3A_60 = arith.constant 0 : i32
        %dma_wait3A_61 = tpu.memref_slice %arg9[%add3A_32, %dma_wait3A_60] : memref<40x128xi32, #tpu.memory_space<vmem>> -> memref<1x128xi32, #tpu.memory_space<vmem>>
        %dma_wait3A_62 = tpu.memref_squeeze %dma_wait3A_61 : memref<1x128xi32, #tpu.memory_space<vmem>> -> memref<128xi32, #tpu.memory_space<vmem>>
        %dma_wait3A_63 = arith.constant 0 : i32
        %dma_wait3A_64 = arith.constant 0 : i32
        %dma_wait3A_65 = tpu.memref_slice %arg7[%dma_wait3A_63, %dma_wait3A_64] : memref<10112x128xf32, #tpu.memory_space<vmem_shared>> -> memref<10112x128xf32, #tpu.memory_space<vmem_shared>>
        tpu.wait_indirect_dma semaphore(%run_scoped3A : memref<!tpu.dma_semaphore, #tpu.memory_space<semaphore_mem>>) src(%arg11 : memref<128x128xf32, #tpu.memory_space<vmem>>) dst(%dma_wait3A_65 : memref<10112x128xf32, #tpu.memory_space<vmem_shared>>)
        tpu.yield
      }) : () -> ()
    }
    %scan3A_13 = arith.constant 20 : i32
    "tpu.region"() ({
      %run_scoped3A = tpu.sem_alloc : memref<!tpu.dma_semaphore, #tpu.memory_space<semaphore_mem>>
      %dma_start3A_28 = arith.constant 0 : i32
      %dma_start3A_29 = arith.constant 0 : i32
      %dma_start3A_30 = tpu.memref_slice %arg8[%dma_start3A_28, %dma_start3A_29] : memref<40x128xi32, #tpu.memory_space<vmem>> -> memref<40x128xi32, #tpu.memory_space<vmem>>
      %dma_start3A_31 = arith.constant 40 : i32
      %dma_start3A_32 = arith.constant 0 : i32
      %dma_start3A_33 = tpu.memref_slice %arg3[%add3A, %dma_start3A_31, %dma_start3A_32] : memref<32x80x128xi32, #tpu.memory_space<hbm>> -> memref<1x40x128xi32, #tpu.memory_space<hbm>>
      %dma_start3A_34 = tpu.memref_squeeze %dma_start3A_33 : memref<1x40x128xi32, #tpu.memory_space<hbm>> -> memref<40x128xi32, #tpu.memory_space<hbm>>
      %dma_start3A_35 = arith.constant 0 : i32
      %dma_start3A_36 = arith.constant 0 : i32
      %dma_start3A_37 = tpu.memref_slice %arg8[%dma_start3A_35, %dma_start3A_36] : memref<40x128xi32, #tpu.memory_space<vmem>> -> memref<40x128xi32, #tpu.memory_space<vmem>>
      %dma_start3A_38 = arith.constant 40 : i32
      %dma_start3A_39 = arith.constant 0 : i32
      %dma_start3A_40 = tpu.memref_slice %arg3[%add3A, %dma_start3A_38, %dma_start3A_39] : memref<32x80x128xi32, #tpu.memory_space<hbm>> -> memref<1x40x128xi32, #tpu.memory_space<hbm>>
      %dma_start3A_41 = tpu.memref_squeeze %dma_start3A_40 : memref<1x40x128xi32, #tpu.memory_space<hbm>> -> memref<40x128xi32, #tpu.memory_space<hbm>>
      tpu.enqueue_dma source(%dma_start3A_41 : memref<40x128xi32, #tpu.memory_space<hbm>>) target(%dma_start3A_37 : memref<40x128xi32, #tpu.memory_space<vmem>>) target_semaphore(%run_scoped3A : memref<!tpu.dma_semaphore, #tpu.memory_space<semaphore_mem>>)
      %dma_wait3A = arith.constant 0 : i32
      %dma_wait3A_42 = arith.constant 0 : i32
      %dma_wait3A_43 = tpu.memref_slice %arg8[%dma_wait3A, %dma_wait3A_42] : memref<40x128xi32, #tpu.memory_space<vmem>> -> memref<40x128xi32, #tpu.memory_space<vmem>>
      %dma_wait3A_44 = arith.constant 40 : i32
      %dma_wait3A_45 = arith.constant 0 : i32
      %dma_wait3A_46 = tpu.memref_slice %arg3[%add3A, %dma_wait3A_44, %dma_wait3A_45] : memref<32x80x128xi32, #tpu.memory_space<hbm>> -> memref<1x40x128xi32, #tpu.memory_space<hbm>>
      %dma_wait3A_47 = tpu.memref_squeeze %dma_wait3A_46 : memref<1x40x128xi32, #tpu.memory_space<hbm>> -> memref<40x128xi32, #tpu.memory_space<hbm>>
      %dma_wait3A_48 = arith.constant 0 : i32
      %dma_wait3A_49 = arith.constant 0 : i32
      %dma_wait3A_50 = tpu.memref_slice %arg8[%dma_wait3A_48, %dma_wait3A_49] : memref<40x128xi32, #tpu.memory_space<vmem>> -> memref<40x128xi32, #tpu.memory_space<vmem>>
      %dma_wait3A_51 = arith.constant 40 : i32
      %dma_wait3A_52 = arith.constant 0 : i32
      %dma_wait3A_53 = tpu.memref_slice %arg3[%add3A, %dma_wait3A_51, %dma_wait3A_52] : memref<32x80x128xi32, #tpu.memory_space<hbm>> -> memref<1x40x128xi32, #tpu.memory_space<hbm>>
      %dma_wait3A_54 = tpu.memref_squeeze %dma_wait3A_53 : memref<1x40x128xi32, #tpu.memory_space<hbm>> -> memref<40x128xi32, #tpu.memory_space<hbm>>
      tpu.wait_dma2 semaphore(%run_scoped3A : memref<!tpu.dma_semaphore, #tpu.memory_space<semaphore_mem>>) src(%dma_wait3A_54 : memref<40x128xi32, #tpu.memory_space<hbm>>) dst(%dma_wait3A_50 : memref<40x128xi32, #tpu.memory_space<vmem>>)
      tpu.yield
    }) : () -> ()
    "tpu.region"() ({
      %run_scoped3A = tpu.sem_alloc : memref<!tpu.dma_semaphore, #tpu.memory_space<semaphore_mem>>
      %dma_start3A_28 = arith.constant 0 : i32
      %dma_start3A_29 = arith.constant 0 : i32
      %dma_start3A_30 = tpu.memref_slice %arg9[%dma_start3A_28, %dma_start3A_29] : memref<40x128xi32, #tpu.memory_space<vmem>> -> memref<40x128xi32, #tpu.memory_space<vmem>>
      %dma_start3A_31 = arith.constant 40 : i32
      %dma_start3A_32 = arith.constant 0 : i32
      %dma_start3A_33 = tpu.memref_slice %arg4[%add3A, %dma_start3A_31, %dma_start3A_32] : memref<32x80x128xi32, #tpu.memory_space<hbm>> -> memref<1x40x128xi32, #tpu.memory_space<hbm>>
      %dma_start3A_34 = tpu.memref_squeeze %dma_start3A_33 : memref<1x40x128xi32, #tpu.memory_space<hbm>> -> memref<40x128xi32, #tpu.memory_space<hbm>>
      %dma_start3A_35 = arith.constant 0 : i32
      %dma_start3A_36 = arith.constant 0 : i32
      %dma_start3A_37 = tpu.memref_slice %arg9[%dma_start3A_35, %dma_start3A_36] : memref<40x128xi32, #tpu.memory_space<vmem>> -> memref<40x128xi32, #tpu.memory_space<vmem>>
      %dma_start3A_38 = arith.constant 40 : i32
      %dma_start3A_39 = arith.constant 0 : i32
      %dma_start3A_40 = tpu.memref_slice %arg4[%add3A, %dma_start3A_38, %dma_start3A_39] : memref<32x80x128xi32, #tpu.memory_space<hbm>> -> memref<1x40x128xi32, #tpu.memory_space<hbm>>
      %dma_start3A_41 = tpu.memref_squeeze %dma_start3A_40 : memref<1x40x128xi32, #tpu.memory_space<hbm>> -> memref<40x128xi32, #tpu.memory_space<hbm>>
      tpu.enqueue_dma source(%dma_start3A_41 : memref<40x128xi32, #tpu.memory_space<hbm>>) target(%dma_start3A_37 : memref<40x128xi32, #tpu.memory_space<vmem>>) target_semaphore(%run_scoped3A : memref<!tpu.dma_semaphore, #tpu.memory_space<semaphore_mem>>)
      %dma_wait3A = arith.constant 0 : i32
      %dma_wait3A_42 = arith.constant 0 : i32
      %dma_wait3A_43 = tpu.memref_slice %arg9[%dma_wait3A, %dma_wait3A_42] : memref<40x128xi32, #tpu.memory_space<vmem>> -> memref<40x128xi32, #tpu.memory_space<vmem>>
      %dma_wait3A_44 = arith.constant 40 : i32
      %dma_wait3A_45 = arith.constant 0 : i32
      %dma_wait3A_46 = tpu.memref_slice %arg4[%add3A, %dma_wait3A_44, %dma_wait3A_45] : memref<32x80x128xi32, #tpu.memory_space<hbm>> -> memref<1x40x128xi32, #tpu.memory_space<hbm>>
      %dma_wait3A_47 = tpu.memref_squeeze %dma_wait3A_46 : memref<1x40x128xi32, #tpu.memory_space<hbm>> -> memref<40x128xi32, #tpu.memory_space<hbm>>
      %dma_wait3A_48 = arith.constant 0 : i32
      %dma_wait3A_49 = arith.constant 0 : i32
      %dma_wait3A_50 = tpu.memref_slice %arg9[%dma_wait3A_48, %dma_wait3A_49] : memref<40x128xi32, #tpu.memory_space<vmem>> -> memref<40x128xi32, #tpu.memory_space<vmem>>
      %dma_wait3A_51 = arith.constant 40 : i32
      %dma_wait3A_52 = arith.constant 0 : i32
      %dma_wait3A_53 = tpu.memref_slice %arg4[%add3A, %dma_wait3A_51, %dma_wait3A_52] : memref<32x80x128xi32, #tpu.memory_space<hbm>> -> memref<1x40x128xi32, #tpu.memory_space<hbm>>
      %dma_wait3A_54 = tpu.memref_squeeze %dma_wait3A_53 : memref<1x40x128xi32, #tpu.memory_space<hbm>> -> memref<40x128xi32, #tpu.memory_space<hbm>>
      tpu.wait_dma2 semaphore(%run_scoped3A : memref<!tpu.dma_semaphore, #tpu.memory_space<semaphore_mem>>) src(%dma_wait3A_54 : memref<40x128xi32, #tpu.memory_space<hbm>>) dst(%dma_wait3A_50 : memref<40x128xi32, #tpu.memory_space<vmem>>)
      tpu.yield
    }) : () -> ()
    %dma_start3A_14 = arith.constant 0 : i32
    %dma_start3A_15 = arith.constant 0 : i32
    %dma_start3A_16 = tpu.memref_slice %arg8[%dma_start3A_14, %dma_start3A_15] : memref<40x128xi32, #tpu.memory_space<vmem>> -> memref<1x128xi32, #tpu.memory_space<vmem>>
    %dma_start3A_17 = tpu.memref_squeeze %dma_start3A_16 : memref<1x128xi32, #tpu.memory_space<vmem>> -> memref<128xi32, #tpu.memory_space<vmem>>
    %dma_start3A_18 = arith.constant 0 : i32
    %dma_start3A_19 = arith.constant 0 : i32
    %dma_start3A_20 = tpu.memref_slice %arg2[%dma_start3A_18, %dma_start3A_19] : memref<10368x128xf32, #tpu.memory_space<hbm>> -> memref<10368x128xf32, #tpu.memory_space<hbm>>
    tpu.enqueue_indirect_dma source(%dma_start3A_20 : memref<10368x128xf32, #tpu.memory_space<hbm>>) target(%arg10 : memref<128x128xf32, #tpu.memory_space<vmem>>) offsets(%dma_start3A_17 : memref<128xi32, #tpu.memory_space<vmem>>) semaphore(%arg12 : memref<!tpu.dma_semaphore, #tpu.memory_space<semaphore_mem>>)
    %scan3A_21 = arith.constant 0 : i32
    %scan3A_22 = arith.constant 0 : i32
    %scan3A_23 = arith.constant 20 : i32
    %scan3A_24 = arith.addi %scan3A_22, %scan3A_23 : i32
    %scan3A_25 = arith.constant 1 : i32
    scf.for %scan3A_28 = %scan3A_22 to %scan3A_24 step %scan3A_25  : i32 {
      %mul3A_29 = arith.constant 2 : i32
      %mul3A_30 = arith.muli %mul3A_29, %scan3A_28 : i32
      %add3A_31 = arith.constant 1 : i32
      %add3A_32 = arith.addi %mul3A_30, %add3A_31 : i32
      %add3A_33 = arith.constant 2 : i32
      %add3A_34 = arith.addi %mul3A_30, %add3A_33 : i32
      %dma_start3A_35 = arith.constant 0 : i32
      %dma_start3A_36 = tpu.memref_slice %arg8[%add3A_32, %dma_start3A_35] : memref<40x128xi32, #tpu.memory_space<vmem>> -> memref<1x128xi32, #tpu.memory_space<vmem>>
      %dma_start3A_37 = tpu.memref_squeeze %dma_start3A_36 : memref<1x128xi32, #tpu.memory_space<vmem>> -> memref<128xi32, #tpu.memory_space<vmem>>
      %dma_start3A_38 = arith.constant 0 : i32
      %dma_start3A_39 = arith.constant 0 : i32
      %dma_start3A_40 = tpu.memref_slice %arg2[%dma_start3A_38, %dma_start3A_39] : memref<10368x128xf32, #tpu.memory_space<hbm>> -> memref<10368x128xf32, #tpu.memory_space<hbm>>
      tpu.enqueue_indirect_dma source(%dma_start3A_40 : memref<10368x128xf32, #tpu.memory_space<hbm>>) target(%arg11 : memref<128x128xf32, #tpu.memory_space<vmem>>) offsets(%dma_start3A_37 : memref<128xi32, #tpu.memory_space<vmem>>) semaphore(%arg13 : memref<!tpu.dma_semaphore, #tpu.memory_space<semaphore_mem>>)
      %dma_wait3A = arith.constant 0 : i32
      %dma_wait3A_41 = tpu.memref_slice %arg8[%mul3A_30, %dma_wait3A] : memref<40x128xi32, #tpu.memory_space<vmem>> -> memref<1x128xi32, #tpu.memory_space<vmem>>
      %dma_wait3A_42 = tpu.memref_squeeze %dma_wait3A_41 : memref<1x128xi32, #tpu.memory_space<vmem>> -> memref<128xi32, #tpu.memory_space<vmem>>
      %dma_wait3A_43 = arith.constant 0 : i32
      %dma_wait3A_44 = arith.constant 0 : i32
      %dma_wait3A_45 = tpu.memref_slice %arg2[%dma_wait3A_43, %dma_wait3A_44] : memref<10368x128xf32, #tpu.memory_space<hbm>> -> memref<10368x128xf32, #tpu.memory_space<hbm>>
      tpu.wait_indirect_dma semaphore(%arg12 : memref<!tpu.dma_semaphore, #tpu.memory_space<semaphore_mem>>) src(%dma_wait3A_45 : memref<10368x128xf32, #tpu.memory_space<hbm>>) dst(%arg10 : memref<128x128xf32, #tpu.memory_space<vmem>>)
      "tpu.region"() ({
        %run_scoped3A = tpu.sem_alloc : memref<!tpu.dma_semaphore, #tpu.memory_space<semaphore_mem>>
        %dma_start3A_54 = arith.constant 0 : i32
        %dma_start3A_55 = tpu.memref_slice %arg9[%mul3A_30, %dma_start3A_54] : memref<40x128xi32, #tpu.memory_space<vmem>> -> memref<1x128xi32, #tpu.memory_space<vmem>>
        %dma_start3A_56 = tpu.memref_squeeze %dma_start3A_55 : memref<1x128xi32, #tpu.memory_space<vmem>> -> memref<128xi32, #tpu.memory_space<vmem>>
        %dma_start3A_57 = arith.constant 0 : i32
        %dma_start3A_58 = arith.constant 0 : i32
        %dma_start3A_59 = tpu.memref_slice %arg7[%dma_start3A_57, %dma_start3A_58] : memref<10112x128xf32, #tpu.memory_space<vmem_shared>> -> memref<10112x128xf32, #tpu.memory_space<vmem_shared>>
        tpu.enqueue_indirect_dma source(%arg10 : memref<128x128xf32, #tpu.memory_space<vmem>>) target(%dma_start3A_59 : memref<10112x128xf32, #tpu.memory_space<vmem_shared>>) offsets(%dma_start3A_56 : memref<128xi32, #tpu.memory_space<vmem>>) semaphore(%run_scoped3A : memref<!tpu.dma_semaphore, #tpu.memory_space<semaphore_mem>>) {add = true}
        %dma_wait3A_60 = arith.constant 0 : i32
        %dma_wait3A_61 = tpu.memref_slice %arg9[%mul3A_30, %dma_wait3A_60] : memref<40x128xi32, #tpu.memory_space<vmem>> -> memref<1x128xi32, #tpu.memory_space<vmem>>
        %dma_wait3A_62 = tpu.memref_squeeze %dma_wait3A_61 : memref<1x128xi32, #tpu.memory_space<vmem>> -> memref<128xi32, #tpu.memory_space<vmem>>
        %dma_wait3A_63 = arith.constant 0 : i32
        %dma_wait3A_64 = arith.constant 0 : i32
        %dma_wait3A_65 = tpu.memref_slice %arg7[%dma_wait3A_63, %dma_wait3A_64] : memref<10112x128xf32, #tpu.memory_space<vmem_shared>> -> memref<10112x128xf32, #tpu.memory_space<vmem_shared>>
        tpu.wait_indirect_dma semaphore(%run_scoped3A : memref<!tpu.dma_semaphore, #tpu.memory_space<semaphore_mem>>) src(%arg10 : memref<128x128xf32, #tpu.memory_space<vmem>>) dst(%dma_wait3A_65 : memref<10112x128xf32, #tpu.memory_space<vmem_shared>>)
        tpu.yield
      }) : () -> ()
      %lt3A = arith.constant 40 : i32
      %lt3A_46 = arith.cmpi slt, %add3A_34, %lt3A : i32
      %convert_element_type3A = arith.extui %lt3A_46 : i1 to i32
      %cond3A = arith.constant 0 : i32
      %cond3A_47 = arith.cmpi ne, %convert_element_type3A, %cond3A : i32
      scf.if %cond3A_47 {
        %dma_start3A_54 = arith.constant 0 : i32
        %dma_start3A_55 = tpu.memref_slice %arg8[%add3A_34, %dma_start3A_54] : memref<40x128xi32, #tpu.memory_space<vmem>> -> memref<1x128xi32, #tpu.memory_space<vmem>>
        %dma_start3A_56 = tpu.memref_squeeze %dma_start3A_55 : memref<1x128xi32, #tpu.memory_space<vmem>> -> memref<128xi32, #tpu.memory_space<vmem>>
        %dma_start3A_57 = arith.constant 0 : i32
        %dma_start3A_58 = arith.constant 0 : i32
        %dma_start3A_59 = tpu.memref_slice %arg2[%dma_start3A_57, %dma_start3A_58] : memref<10368x128xf32, #tpu.memory_space<hbm>> -> memref<10368x128xf32, #tpu.memory_space<hbm>>
        tpu.enqueue_indirect_dma source(%dma_start3A_59 : memref<10368x128xf32, #tpu.memory_space<hbm>>) target(%arg10 : memref<128x128xf32, #tpu.memory_space<vmem>>) offsets(%dma_start3A_56 : memref<128xi32, #tpu.memory_space<vmem>>) semaphore(%arg12 : memref<!tpu.dma_semaphore, #tpu.memory_space<semaphore_mem>>)
      } else {
      }
      %dma_wait3A_48 = arith.constant 0 : i32
      %dma_wait3A_49 = tpu.memref_slice %arg8[%add3A_32, %dma_wait3A_48] : memref<40x128xi32, #tpu.memory_space<vmem>> -> memref<1x128xi32, #tpu.memory_space<vmem>>
      %dma_wait3A_50 = tpu.memref_squeeze %dma_wait3A_49 : memref<1x128xi32, #tpu.memory_space<vmem>> -> memref<128xi32, #tpu.memory_space<vmem>>
      %dma_wait3A_51 = arith.constant 0 : i32
      %dma_wait3A_52 = arith.constant 0 : i32
      %dma_wait3A_53 = tpu.memref_slice %arg2[%dma_wait3A_51, %dma_wait3A_52] : memref<10368x128xf32, #tpu.memory_space<hbm>> -> memref<10368x128xf32, #tpu.memory_space<hbm>>
      tpu.wait_indirect_dma semaphore(%arg13 : memref<!tpu.dma_semaphore, #tpu.memory_space<semaphore_mem>>) src(%dma_wait3A_53 : memref<10368x128xf32, #tpu.memory_space<hbm>>) dst(%arg11 : memref<128x128xf32, #tpu.memory_space<vmem>>)
      "tpu.region"() ({
        %run_scoped3A = tpu.sem_alloc : memref<!tpu.dma_semaphore, #tpu.memory_space<semaphore_mem>>
        %dma_start3A_54 = arith.constant 0 : i32
        %dma_start3A_55 = tpu.memref_slice %arg9[%add3A_32, %dma_start3A_54] : memref<40x128xi32, #tpu.memory_space<vmem>> -> memref<1x128xi32, #tpu.memory_space<vmem>>
        %dma_start3A_56 = tpu.memref_squeeze %dma_start3A_55 : memref<1x128xi32, #tpu.memory_space<vmem>> -> memref<128xi32, #tpu.memory_space<vmem>>
        %dma_start3A_57 = arith.constant 0 : i32
        %dma_start3A_58 = arith.constant 0 : i32
        %dma_start3A_59 = tpu.memref_slice %arg7[%dma_start3A_57, %dma_start3A_58] : memref<10112x128xf32, #tpu.memory_space<vmem_shared>> -> memref<10112x128xf32, #tpu.memory_space<vmem_shared>>
        tpu.enqueue_indirect_dma source(%arg11 : memref<128x128xf32, #tpu.memory_space<vmem>>) target(%dma_start3A_59 : memref<10112x128xf32, #tpu.memory_space<vmem_shared>>) offsets(%dma_start3A_56 : memref<128xi32, #tpu.memory_space<vmem>>) semaphore(%run_scoped3A : memref<!tpu.dma_semaphore, #tpu.memory_space<semaphore_mem>>) {add = true}
        %dma_wait3A_60 = arith.constant 0 : i32
        %dma_wait3A_61 = tpu.memref_slice %arg9[%add3A_32, %dma_wait3A_60] : memref<40x128xi32, #tpu.memory_space<vmem>> -> memref<1x128xi32, #tpu.memory_space<vmem>>
        %dma_wait3A_62 = tpu.memref_squeeze %dma_wait3A_61 : memref<1x128xi32, #tpu.memory_space<vmem>> -> memref<128xi32, #tpu.memory_space<vmem>>
        %dma_wait3A_63 = arith.constant 0 : i32
        %dma_wait3A_64 = arith.constant 0 : i32
        %dma_wait3A_65 = tpu.memref_slice %arg7[%dma_wait3A_63, %dma_wait3A_64] : memref<10112x128xf32, #tpu.memory_space<vmem_shared>> -> memref<10112x128xf32, #tpu.memory_space<vmem_shared>>
        tpu.wait_indirect_dma semaphore(%run_scoped3A : memref<!tpu.dma_semaphore, #tpu.memory_space<semaphore_mem>>) src(%arg11 : memref<128x128xf32, #tpu.memory_space<vmem>>) dst(%dma_wait3A_65 : memref<10112x128xf32, #tpu.memory_space<vmem_shared>>)
        tpu.yield
      }) : () -> ()
    }
    %scan3A_26 = arith.constant 20 : i32
    %barrier3A_27 = arith.constant 0 : index
    tpu.barrier barrier_id(%barrier3A_27)
    "tpu.region"() ({
      %run_scoped3A = tpu.sem_alloc : memref<!tpu.dma_semaphore, #tpu.memory_space<semaphore_mem>>
      %dma_start3A_28 = arith.constant 0 : i32
      %dma_start3A_29 = tpu.memref_slice %arg6[%arg0, %mul3A_2, %dma_start3A_28] : memref<2x10368x128xf32, #tpu.memory_space<hbm>> -> memref<1x632x128xf32, #tpu.memory_space<hbm>>
      %dma_start3A_30 = tpu.memref_squeeze %dma_start3A_29 : memref<1x632x128xf32, #tpu.memory_space<hbm>> -> memref<632x128xf32, #tpu.memory_space<hbm>>
      %dma_start3A_31 = arith.constant 0 : i32
      %dma_start3A_32 = tpu.memref_slice %arg7[%mul3A_2, %dma_start3A_31] : memref<10112x128xf32, #tpu.memory_space<vmem_shared>> -> memref<632x128xf32, #tpu.memory_space<vmem_shared>>
      tpu.enqueue_dma source(%dma_start3A_32 : memref<632x128xf32, #tpu.memory_space<vmem_shared>>) target(%dma_start3A_30 : memref<632x128xf32, #tpu.memory_space<hbm>>) target_semaphore(%run_scoped3A : memref<!tpu.dma_semaphore, #tpu.memory_space<semaphore_mem>>)
      %dma_wait3A = arith.constant 0 : i32
      %dma_wait3A_33 = tpu.memref_slice %arg6[%arg0, %mul3A_2, %dma_wait3A] : memref<2x10368x128xf32, #tpu.memory_space<hbm>> -> memref<1x632x128xf32, #tpu.memory_space<hbm>>
      %dma_wait3A_34 = tpu.memref_squeeze %dma_wait3A_33 : memref<1x632x128xf32, #tpu.memory_space<hbm>> -> memref<632x128xf32, #tpu.memory_space<hbm>>
      %dma_wait3A_35 = arith.constant 0 : i32
      %dma_wait3A_36 = tpu.memref_slice %arg7[%mul3A_2, %dma_wait3A_35] : memref<10112x128xf32, #tpu.memory_space<vmem_shared>> -> memref<632x128xf32, #tpu.memory_space<vmem_shared>>
      tpu.wait_dma2 semaphore(%run_scoped3A : memref<!tpu.dma_semaphore, #tpu.memory_space<semaphore_mem>>) src(%dma_wait3A_36 : memref<632x128xf32, #tpu.memory_space<vmem_shared>>) dst(%dma_wait3A_34 : memref<632x128xf32, #tpu.memory_space<hbm>>)
      tpu.yield
    }) : () -> ()
    return
  }
}

#map = affine_map<(d0, d1) -> (0, 0, 0)>
#map1 = affine_map<(d0, d1) -> (0, 0)>
module attributes {stable_mosaic.version = 14 : i64} {
  func.func @_hist_body(%arg0: i32, %arg1: i32, %arg2: memref<32x80x128xi32, #tpu.memory_space<hbm>>, %arg3: memref<10368x128xf32, #tpu.memory_space<hbm>>, %arg4: memref<128x128xf32, #tpu.memory_space<hbm>>, %arg5: memref<2x10368x128xf32, #tpu.memory_space<hbm>>, %arg6: memref<10368x128xf32, #tpu.memory_space<vmem_shared>>, %arg7: memref<80x128xi32, #tpu.memory_space<vmem>>, %arg8: memref<128x128xf32, #tpu.memory_space<vmem>>, %arg9: memref<!tpu.dma_semaphore, #tpu.memory_space<semaphore_mem>>) attributes {dimension_semantics = [#tpu.dimension_semantics<core_parallel>, #tpu.dimension_semantics<subcore_parallel>], iteration_bounds = array<i64: 2, 16>, scalar_prefetch = 0 : i64, scratch_operands = 4 : i64, tpu.core_type = #tpu.core_type<sc_vector_subcore>, window_params = [{transform_indices = #map}, {transform_indices = #map1}, {transform_indices = #map1}, {transform_indices = #map}]} {
    %mul3A = arith.constant 16 : i32
    %mul3A_0 = arith.muli %arg0, %mul3A : i32
    %add3A = arith.addi %mul3A_0, %arg1 : i32
    "tpu.region"() ({
      %run_scoped3A = tpu.sem_alloc : memref<!tpu.dma_semaphore, #tpu.memory_space<semaphore_mem>>
      %dma_start3A = arith.constant 0 : i32
      %dma_start3A_9 = arith.constant 0 : i32
      %dma_start3A_10 = tpu.memref_slice %arg2[%add3A, %dma_start3A, %dma_start3A_9] : memref<32x80x128xi32, #tpu.memory_space<hbm>> -> memref<1x80x128xi32, #tpu.memory_space<hbm>>
      %dma_start3A_11 = tpu.memref_squeeze %dma_start3A_10 : memref<1x80x128xi32, #tpu.memory_space<hbm>> -> memref<80x128xi32, #tpu.memory_space<hbm>>
      %dma_start3A_12 = arith.constant 0 : i32
      %dma_start3A_13 = arith.constant 0 : i32
      %dma_start3A_14 = tpu.memref_slice %arg2[%add3A, %dma_start3A_12, %dma_start3A_13] : memref<32x80x128xi32, #tpu.memory_space<hbm>> -> memref<1x80x128xi32, #tpu.memory_space<hbm>>
      %dma_start3A_15 = tpu.memref_squeeze %dma_start3A_14 : memref<1x80x128xi32, #tpu.memory_space<hbm>> -> memref<80x128xi32, #tpu.memory_space<hbm>>
      tpu.enqueue_dma source(%dma_start3A_15 : memref<80x128xi32, #tpu.memory_space<hbm>>) target(%arg7 : memref<80x128xi32, #tpu.memory_space<vmem>>) target_semaphore(%run_scoped3A : memref<!tpu.dma_semaphore, #tpu.memory_space<semaphore_mem>>)
      %dma_wait3A = arith.constant 0 : i32
      %dma_wait3A_16 = arith.constant 0 : i32
      %dma_wait3A_17 = tpu.memref_slice %arg2[%add3A, %dma_wait3A, %dma_wait3A_16] : memref<32x80x128xi32, #tpu.memory_space<hbm>> -> memref<1x80x128xi32, #tpu.memory_space<hbm>>
      %dma_wait3A_18 = tpu.memref_squeeze %dma_wait3A_17 : memref<1x80x128xi32, #tpu.memory_space<hbm>> -> memref<80x128xi32, #tpu.memory_space<hbm>>
      %dma_wait3A_19 = arith.constant 0 : i32
      %dma_wait3A_20 = arith.constant 0 : i32
      %dma_wait3A_21 = tpu.memref_slice %arg2[%add3A, %dma_wait3A_19, %dma_wait3A_20] : memref<32x80x128xi32, #tpu.memory_space<hbm>> -> memref<1x80x128xi32, #tpu.memory_space<hbm>>
      %dma_wait3A_22 = tpu.memref_squeeze %dma_wait3A_21 : memref<1x80x128xi32, #tpu.memory_space<hbm>> -> memref<80x128xi32, #tpu.memory_space<hbm>>
      tpu.wait_dma2 semaphore(%run_scoped3A : memref<!tpu.dma_semaphore, #tpu.memory_space<semaphore_mem>>) src(%dma_wait3A_22 : memref<80x128xi32, #tpu.memory_space<hbm>>) dst(%arg7 : memref<80x128xi32, #tpu.memory_space<vmem>>)
      tpu.yield
    }) : () -> ()
    "tpu.region"() ({
      %run_scoped3A = tpu.sem_alloc : memref<!tpu.dma_semaphore, #tpu.memory_space<semaphore_mem>>
      tpu.enqueue_dma source(%arg4 : memref<128x128xf32, #tpu.memory_space<hbm>>) target(%arg8 : memref<128x128xf32, #tpu.memory_space<vmem>>) target_semaphore(%run_scoped3A : memref<!tpu.dma_semaphore, #tpu.memory_space<semaphore_mem>>)
      tpu.wait_dma2 semaphore(%run_scoped3A : memref<!tpu.dma_semaphore, #tpu.memory_space<semaphore_mem>>) src(%arg4 : memref<128x128xf32, #tpu.memory_space<hbm>>) dst(%arg8 : memref<128x128xf32, #tpu.memory_space<vmem>>)
      tpu.yield
    }) : () -> ()
    %mul3A_1 = arith.constant 648 : i32
    %mul3A_2 = arith.muli %arg1, %mul3A_1 : i32
    "tpu.region"() ({
      %run_scoped3A = tpu.sem_alloc : memref<!tpu.dma_semaphore, #tpu.memory_space<semaphore_mem>>
      %dma_start3A = arith.constant 0 : i32
      %dma_start3A_9 = tpu.memref_slice %arg6[%mul3A_2, %dma_start3A] : memref<10368x128xf32, #tpu.memory_space<vmem_shared>> -> memref<648x128xf32, #tpu.memory_space<vmem_shared>>
      %dma_start3A_10 = arith.constant 0 : i32
      %dma_start3A_11 = tpu.memref_slice %arg3[%mul3A_2, %dma_start3A_10] : memref<10368x128xf32, #tpu.memory_space<hbm>> -> memref<648x128xf32, #tpu.memory_space<hbm>>
      tpu.enqueue_dma source(%dma_start3A_11 : memref<648x128xf32, #tpu.memory_space<hbm>>) target(%dma_start3A_9 : memref<648x128xf32, #tpu.memory_space<vmem_shared>>) target_semaphore(%run_scoped3A : memref<!tpu.dma_semaphore, #tpu.memory_space<semaphore_mem>>)
      %dma_wait3A = arith.constant 0 : i32
      %dma_wait3A_12 = tpu.memref_slice %arg6[%mul3A_2, %dma_wait3A] : memref<10368x128xf32, #tpu.memory_space<vmem_shared>> -> memref<648x128xf32, #tpu.memory_space<vmem_shared>>
      %dma_wait3A_13 = arith.constant 0 : i32
      %dma_wait3A_14 = tpu.memref_slice %arg3[%mul3A_2, %dma_wait3A_13] : memref<10368x128xf32, #tpu.memory_space<hbm>> -> memref<648x128xf32, #tpu.memory_space<hbm>>
      tpu.wait_dma2 semaphore(%run_scoped3A : memref<!tpu.dma_semaphore, #tpu.memory_space<semaphore_mem>>) src(%dma_wait3A_14 : memref<648x128xf32, #tpu.memory_space<hbm>>) dst(%dma_wait3A_12 : memref<648x128xf32, #tpu.memory_space<vmem_shared>>)
      tpu.yield
    }) : () -> ()
    %barrier3A = arith.constant 0 : index
    tpu.barrier barrier_id(%barrier3A)
    %scan3A = arith.constant 0 : i32
    %scan3A_3 = arith.constant 0 : i32
    %scan3A_4 = arith.constant 80 : i32
    %scan3A_5 = arith.addi %scan3A_3, %scan3A_4 : i32
    %scan3A_6 = arith.constant 1 : i32
    scf.for %scan3A_9 = %scan3A_3 to %scan3A_5 step %scan3A_6  : i32 {
      "tpu.region"() ({
        %run_scoped3A = tpu.sem_alloc : memref<!tpu.dma_semaphore, #tpu.memory_space<semaphore_mem>>
        %dma_start3A = arith.constant 0 : i32
        %dma_start3A_10 = tpu.memref_slice %arg7[%scan3A_9, %dma_start3A] : memref<80x128xi32, #tpu.memory_space<vmem>> -> memref<1x128xi32, #tpu.memory_space<vmem>>
        %dma_start3A_11 = tpu.memref_squeeze %dma_start3A_10 : memref<1x128xi32, #tpu.memory_space<vmem>> -> memref<128xi32, #tpu.memory_space<vmem>>
        %dma_start3A_12 = arith.constant 0 : i32
        %dma_start3A_13 = arith.constant 0 : i32
        %dma_start3A_14 = tpu.memref_slice %arg6[%dma_start3A_12, %dma_start3A_13] : memref<10368x128xf32, #tpu.memory_space<vmem_shared>> -> memref<10368x128xf32, #tpu.memory_space<vmem_shared>>
        tpu.enqueue_indirect_dma source(%arg8 : memref<128x128xf32, #tpu.memory_space<vmem>>) target(%dma_start3A_14 : memref<10368x128xf32, #tpu.memory_space<vmem_shared>>) offsets(%dma_start3A_11 : memref<128xi32, #tpu.memory_space<vmem>>) semaphore(%run_scoped3A : memref<!tpu.dma_semaphore, #tpu.memory_space<semaphore_mem>>) {add = true}
        %dma_wait3A = arith.constant 0 : i32
        %dma_wait3A_15 = tpu.memref_slice %arg7[%scan3A_9, %dma_wait3A] : memref<80x128xi32, #tpu.memory_space<vmem>> -> memref<1x128xi32, #tpu.memory_space<vmem>>
        %dma_wait3A_16 = tpu.memref_squeeze %dma_wait3A_15 : memref<1x128xi32, #tpu.memory_space<vmem>> -> memref<128xi32, #tpu.memory_space<vmem>>
        %dma_wait3A_17 = arith.constant 0 : i32
        %dma_wait3A_18 = arith.constant 0 : i32
        %dma_wait3A_19 = tpu.memref_slice %arg6[%dma_wait3A_17, %dma_wait3A_18] : memref<10368x128xf32, #tpu.memory_space<vmem_shared>> -> memref<10368x128xf32, #tpu.memory_space<vmem_shared>>
        tpu.wait_indirect_dma semaphore(%run_scoped3A : memref<!tpu.dma_semaphore, #tpu.memory_space<semaphore_mem>>) src(%arg8 : memref<128x128xf32, #tpu.memory_space<vmem>>) dst(%dma_wait3A_19 : memref<10368x128xf32, #tpu.memory_space<vmem_shared>>)
        tpu.yield
      }) : () -> ()
    }
    %scan3A_7 = arith.constant 80 : i32
    %barrier3A_8 = arith.constant 0 : index
    tpu.barrier barrier_id(%barrier3A_8)
    "tpu.region"() ({
      %run_scoped3A = tpu.sem_alloc : memref<!tpu.dma_semaphore, #tpu.memory_space<semaphore_mem>>
      %dma_start3A = arith.constant 0 : i32
      %dma_start3A_9 = tpu.memref_slice %arg5[%arg0, %mul3A_2, %dma_start3A] : memref<2x10368x128xf32, #tpu.memory_space<hbm>> -> memref<1x648x128xf32, #tpu.memory_space<hbm>>
      %dma_start3A_10 = tpu.memref_squeeze %dma_start3A_9 : memref<1x648x128xf32, #tpu.memory_space<hbm>> -> memref<648x128xf32, #tpu.memory_space<hbm>>
      %dma_start3A_11 = arith.constant 0 : i32
      %dma_start3A_12 = tpu.memref_slice %arg6[%mul3A_2, %dma_start3A_11] : memref<10368x128xf32, #tpu.memory_space<vmem_shared>> -> memref<648x128xf32, #tpu.memory_space<vmem_shared>>
      tpu.enqueue_dma source(%dma_start3A_12 : memref<648x128xf32, #tpu.memory_space<vmem_shared>>) target(%dma_start3A_10 : memref<648x128xf32, #tpu.memory_space<hbm>>) target_semaphore(%run_scoped3A : memref<!tpu.dma_semaphore, #tpu.memory_space<semaphore_mem>>)
      %dma_wait3A = arith.constant 0 : i32
      %dma_wait3A_13 = tpu.memref_slice %arg5[%arg0, %mul3A_2, %dma_wait3A] : memref<2x10368x128xf32, #tpu.memory_space<hbm>> -> memref<1x648x128xf32, #tpu.memory_space<hbm>>
      %dma_wait3A_14 = tpu.memref_squeeze %dma_wait3A_13 : memref<1x648x128xf32, #tpu.memory_space<hbm>> -> memref<648x128xf32, #tpu.memory_space<hbm>>
      %dma_wait3A_15 = arith.constant 0 : i32
      %dma_wait3A_16 = tpu.memref_slice %arg6[%mul3A_2, %dma_wait3A_15] : memref<10368x128xf32, #tpu.memory_space<vmem_shared>> -> memref<648x128xf32, #tpu.memory_space<vmem_shared>>
      tpu.wait_dma2 semaphore(%run_scoped3A : memref<!tpu.dma_semaphore, #tpu.memory_space<semaphore_mem>>) src(%dma_wait3A_16 : memref<648x128xf32, #tpu.memory_space<vmem_shared>>) dst(%dma_wait3A_14 : memref<648x128xf32, #tpu.memory_space<hbm>>)
      tpu.yield
    }) : () -> ()
    return
  }
}

#map = affine_map<(d0, d1) -> (0, 0)>
#map1 = affine_map<(d0, d1) -> (0, 0, 0)>
module attributes {stable_mosaic.version = 14 : i64} {
  func.func @_hop_body(%arg0: i32, %arg1: i32, %arg2: memref<10368x128xf32, #tpu.memory_space<hbm>>, %arg3: memref<32x80x128xi32, #tpu.memory_space<hbm>>, %arg4: memref<32x80x128xi32, #tpu.memory_space<hbm>>, %arg5: memref<10368x128xf32, #tpu.memory_space<hbm>>, %arg6: memref<2x10368x128xf32, #tpu.memory_space<hbm>>, %arg7: memref<10112x128xf32, #tpu.memory_space<vmem_shared>>, %arg8: memref<40x128xi32, #tpu.memory_space<vmem>>, %arg9: memref<40x128xi32, #tpu.memory_space<vmem>>, %arg10: memref<128x128xf32, #tpu.memory_space<vmem>>, %arg11: memref<128x128xf32, #tpu.memory_space<vmem>>, %arg12: memref<!tpu.dma_semaphore, #tpu.memory_space<semaphore_mem>>, %arg13: memref<!tpu.dma_semaphore, #tpu.memory_space<semaphore_mem>>) attributes {dimension_semantics = [#tpu.dimension_semantics<core_parallel>, #tpu.dimension_semantics<subcore_parallel>], iteration_bounds = array<i64: 2, 16>, scalar_prefetch = 0 : i64, scratch_operands = 7 : i64, tpu.core_type = #tpu.core_type<sc_vector_subcore>, window_params = [{transform_indices = #map}, {transform_indices = #map1}, {transform_indices = #map1}, {transform_indices = #map}, {transform_indices = #map1}]} {
    %mul3A = arith.constant 16 : i32
    %mul3A_0 = arith.muli %arg0, %mul3A : i32
    %add3A = arith.addi %mul3A_0, %arg1 : i32
    %mul3A_1 = arith.constant 632 : i32
    %mul3A_2 = arith.muli %arg1, %mul3A_1 : i32
    "tpu.region"() ({
      %run_scoped3A = tpu.sem_alloc : memref<!tpu.dma_semaphore, #tpu.memory_space<semaphore_mem>>
      %dma_start3A_28 = arith.constant 0 : i32
      %dma_start3A_29 = tpu.memref_slice %arg7[%mul3A_2, %dma_start3A_28] : memref<10112x128xf32, #tpu.memory_space<vmem_shared>> -> memref<632x128xf32, #tpu.memory_space<vmem_shared>>
      %dma_start3A_30 = arith.constant 0 : i32
      %dma_start3A_31 = tpu.memref_slice %arg5[%mul3A_2, %dma_start3A_30] : memref<10368x128xf32, #tpu.memory_space<hbm>> -> memref<632x128xf32, #tpu.memory_space<hbm>>
      tpu.enqueue_dma source(%dma_start3A_31 : memref<632x128xf32, #tpu.memory_space<hbm>>) target(%dma_start3A_29 : memref<632x128xf32, #tpu.memory_space<vmem_shared>>) target_semaphore(%run_scoped3A : memref<!tpu.dma_semaphore, #tpu.memory_space<semaphore_mem>>)
      %dma_wait3A = arith.constant 0 : i32
      %dma_wait3A_32 = tpu.memref_slice %arg7[%mul3A_2, %dma_wait3A] : memref<10112x128xf32, #tpu.memory_space<vmem_shared>> -> memref<632x128xf32, #tpu.memory_space<vmem_shared>>
      %dma_wait3A_33 = arith.constant 0 : i32
      %dma_wait3A_34 = tpu.memref_slice %arg5[%mul3A_2, %dma_wait3A_33] : memref<10368x128xf32, #tpu.memory_space<hbm>> -> memref<632x128xf32, #tpu.memory_space<hbm>>
      tpu.wait_dma2 semaphore(%run_scoped3A : memref<!tpu.dma_semaphore, #tpu.memory_space<semaphore_mem>>) src(%dma_wait3A_34 : memref<632x128xf32, #tpu.memory_space<hbm>>) dst(%dma_wait3A_32 : memref<632x128xf32, #tpu.memory_space<vmem_shared>>)
      tpu.yield
    }) : () -> ()
    %barrier3A = arith.constant 0 : index
    tpu.barrier barrier_id(%barrier3A)
    "tpu.region"() ({
      %run_scoped3A = tpu.sem_alloc : memref<!tpu.dma_semaphore, #tpu.memory_space<semaphore_mem>>
      %dma_start3A_28 = arith.constant 0 : i32
      %dma_start3A_29 = arith.constant 0 : i32
      %dma_start3A_30 = tpu.memref_slice %arg8[%dma_start3A_28, %dma_start3A_29] : memref<40x128xi32, #tpu.memory_space<vmem>> -> memref<40x128xi32, #tpu.memory_space<vmem>>
      %dma_start3A_31 = arith.constant 0 : i32
      %dma_start3A_32 = arith.constant 0 : i32
      %dma_start3A_33 = tpu.memref_slice %arg3[%add3A, %dma_start3A_31, %dma_start3A_32] : memref<32x80x128xi32, #tpu.memory_space<hbm>> -> memref<1x40x128xi32, #tpu.memory_space<hbm>>
      %dma_start3A_34 = tpu.memref_squeeze %dma_start3A_33 : memref<1x40x128xi32, #tpu.memory_space<hbm>> -> memref<40x128xi32, #tpu.memory_space<hbm>>
      %dma_start3A_35 = arith.constant 0 : i32
      %dma_start3A_36 = arith.constant 0 : i32
      %dma_start3A_37 = tpu.memref_slice %arg8[%dma_start3A_35, %dma_start3A_36] : memref<40x128xi32, #tpu.memory_space<vmem>> -> memref<40x128xi32, #tpu.memory_space<vmem>>
      %dma_start3A_38 = arith.constant 0 : i32
      %dma_start3A_39 = arith.constant 0 : i32
      %dma_start3A_40 = tpu.memref_slice %arg3[%add3A, %dma_start3A_38, %dma_start3A_39] : memref<32x80x128xi32, #tpu.memory_space<hbm>> -> memref<1x40x128xi32, #tpu.memory_space<hbm>>
      %dma_start3A_41 = tpu.memref_squeeze %dma_start3A_40 : memref<1x40x128xi32, #tpu.memory_space<hbm>> -> memref<40x128xi32, #tpu.memory_space<hbm>>
      tpu.enqueue_dma source(%dma_start3A_41 : memref<40x128xi32, #tpu.memory_space<hbm>>) target(%dma_start3A_37 : memref<40x128xi32, #tpu.memory_space<vmem>>) target_semaphore(%run_scoped3A : memref<!tpu.dma_semaphore, #tpu.memory_space<semaphore_mem>>)
      %dma_wait3A = arith.constant 0 : i32
      %dma_wait3A_42 = arith.constant 0 : i32
      %dma_wait3A_43 = tpu.memref_slice %arg8[%dma_wait3A, %dma_wait3A_42] : memref<40x128xi32, #tpu.memory_space<vmem>> -> memref<40x128xi32, #tpu.memory_space<vmem>>
      %dma_wait3A_44 = arith.constant 0 : i32
      %dma_wait3A_45 = arith.constant 0 : i32
      %dma_wait3A_46 = tpu.memref_slice %arg3[%add3A, %dma_wait3A_44, %dma_wait3A_45] : memref<32x80x128xi32, #tpu.memory_space<hbm>> -> memref<1x40x128xi32, #tpu.memory_space<hbm>>
      %dma_wait3A_47 = tpu.memref_squeeze %dma_wait3A_46 : memref<1x40x128xi32, #tpu.memory_space<hbm>> -> memref<40x128xi32, #tpu.memory_space<hbm>>
      %dma_wait3A_48 = arith.constant 0 : i32
      %dma_wait3A_49 = arith.constant 0 : i32
      %dma_wait3A_50 = tpu.memref_slice %arg8[%dma_wait3A_48, %dma_wait3A_49] : memref<40x128xi32, #tpu.memory_space<vmem>> -> memref<40x128xi32, #tpu.memory_space<vmem>>
      %dma_wait3A_51 = arith.constant 0 : i32
      %dma_wait3A_52 = arith.constant 0 : i32
      %dma_wait3A_53 = tpu.memref_slice %arg3[%add3A, %dma_wait3A_51, %dma_wait3A_52] : memref<32x80x128xi32, #tpu.memory_space<hbm>> -> memref<1x40x128xi32, #tpu.memory_space<hbm>>
      %dma_wait3A_54 = tpu.memref_squeeze %dma_wait3A_53 : memref<1x40x128xi32, #tpu.memory_space<hbm>> -> memref<40x128xi32, #tpu.memory_space<hbm>>
      tpu.wait_dma2 semaphore(%run_scoped3A : memref<!tpu.dma_semaphore, #tpu.memory_space<semaphore_mem>>) src(%dma_wait3A_54 : memref<40x128xi32, #tpu.memory_space<hbm>>) dst(%dma_wait3A_50 : memref<40x128xi32, #tpu.memory_space<vmem>>)
      tpu.yield
    }) : () -> ()
    "tpu.region"() ({
      %run_scoped3A = tpu.sem_alloc : memref<!tpu.dma_semaphore, #tpu.memory_space<semaphore_mem>>
      %dma_start3A_28 = arith.constant 0 : i32
      %dma_start3A_29 = arith.constant 0 : i32
      %dma_start3A_30 = tpu.memref_slice %arg9[%dma_start3A_28, %dma_start3A_29] : memref<40x128xi32, #tpu.memory_space<vmem>> -> memref<40x128xi32, #tpu.memory_space<vmem>>
      %dma_start3A_31 = arith.constant 0 : i32
      %dma_start3A_32 = arith.constant 0 : i32
      %dma_start3A_33 = tpu.memref_slice %arg4[%add3A, %dma_start3A_31, %dma_start3A_32] : memref<32x80x128xi32, #tpu.memory_space<hbm>> -> memref<1x40x128xi32, #tpu.memory_space<hbm>>
      %dma_start3A_34 = tpu.memref_squeeze %dma_start3A_33 : memref<1x40x128xi32, #tpu.memory_space<hbm>> -> memref<40x128xi32, #tpu.memory_space<hbm>>
      %dma_start3A_35 = arith.constant 0 : i32
      %dma_start3A_36 = arith.constant 0 : i32
      %dma_start3A_37 = tpu.memref_slice %arg9[%dma_start3A_35, %dma_start3A_36] : memref<40x128xi32, #tpu.memory_space<vmem>> -> memref<40x128xi32, #tpu.memory_space<vmem>>
      %dma_start3A_38 = arith.constant 0 : i32
      %dma_start3A_39 = arith.constant 0 : i32
      %dma_start3A_40 = tpu.memref_slice %arg4[%add3A, %dma_start3A_38, %dma_start3A_39] : memref<32x80x128xi32, #tpu.memory_space<hbm>> -> memref<1x40x128xi32, #tpu.memory_space<hbm>>
      %dma_start3A_41 = tpu.memref_squeeze %dma_start3A_40 : memref<1x40x128xi32, #tpu.memory_space<hbm>> -> memref<40x128xi32, #tpu.memory_space<hbm>>
      tpu.enqueue_dma source(%dma_start3A_41 : memref<40x128xi32, #tpu.memory_space<hbm>>) target(%dma_start3A_37 : memref<40x128xi32, #tpu.memory_space<vmem>>) target_semaphore(%run_scoped3A : memref<!tpu.dma_semaphore, #tpu.memory_space<semaphore_mem>>)
      %dma_wait3A = arith.constant 0 : i32
      %dma_wait3A_42 = arith.constant 0 : i32
      %dma_wait3A_43 = tpu.memref_slice %arg9[%dma_wait3A, %dma_wait3A_42] : memref<40x128xi32, #tpu.memory_space<vmem>> -> memref<40x128xi32, #tpu.memory_space<vmem>>
      %dma_wait3A_44 = arith.constant 0 : i32
      %dma_wait3A_45 = arith.constant 0 : i32
      %dma_wait3A_46 = tpu.memref_slice %arg4[%add3A, %dma_wait3A_44, %dma_wait3A_45] : memref<32x80x128xi32, #tpu.memory_space<hbm>> -> memref<1x40x128xi32, #tpu.memory_space<hbm>>
      %dma_wait3A_47 = tpu.memref_squeeze %dma_wait3A_46 : memref<1x40x128xi32, #tpu.memory_space<hbm>> -> memref<40x128xi32, #tpu.memory_space<hbm>>
      %dma_wait3A_48 = arith.constant 0 : i32
      %dma_wait3A_49 = arith.constant 0 : i32
      %dma_wait3A_50 = tpu.memref_slice %arg9[%dma_wait3A_48, %dma_wait3A_49] : memref<40x128xi32, #tpu.memory_space<vmem>> -> memref<40x128xi32, #tpu.memory_space<vmem>>
      %dma_wait3A_51 = arith.constant 0 : i32
      %dma_wait3A_52 = arith.constant 0 : i32
      %dma_wait3A_53 = tpu.memref_slice %arg4[%add3A, %dma_wait3A_51, %dma_wait3A_52] : memref<32x80x128xi32, #tpu.memory_space<hbm>> -> memref<1x40x128xi32, #tpu.memory_space<hbm>>
      %dma_wait3A_54 = tpu.memref_squeeze %dma_wait3A_53 : memref<1x40x128xi32, #tpu.memory_space<hbm>> -> memref<40x128xi32, #tpu.memory_space<hbm>>
      tpu.wait_dma2 semaphore(%run_scoped3A : memref<!tpu.dma_semaphore, #tpu.memory_space<semaphore_mem>>) src(%dma_wait3A_54 : memref<40x128xi32, #tpu.memory_space<hbm>>) dst(%dma_wait3A_50 : memref<40x128xi32, #tpu.memory_space<vmem>>)
      tpu.yield
    }) : () -> ()
    %dma_start3A = arith.constant 0 : i32
    %dma_start3A_3 = arith.constant 0 : i32
    %dma_start3A_4 = tpu.memref_slice %arg8[%dma_start3A, %dma_start3A_3] : memref<40x128xi32, #tpu.memory_space<vmem>> -> memref<1x128xi32, #tpu.memory_space<vmem>>
    %dma_start3A_5 = tpu.memref_squeeze %dma_start3A_4 : memref<1x128xi32, #tpu.memory_space<vmem>> -> memref<128xi32, #tpu.memory_space<vmem>>
    %dma_start3A_6 = arith.constant 0 : i32
    %dma_start3A_7 = arith.constant 0 : i32
    %dma_start3A_8 = tpu.memref_slice %arg2[%dma_start3A_6, %dma_start3A_7] : memref<10368x128xf32, #tpu.memory_space<hbm>> -> memref<10368x128xf32, #tpu.memory_space<hbm>>
    tpu.enqueue_indirect_dma source(%dma_start3A_8 : memref<10368x128xf32, #tpu.memory_space<hbm>>) target(%arg10 : memref<128x128xf32, #tpu.memory_space<vmem>>) offsets(%dma_start3A_5 : memref<128xi32, #tpu.memory_space<vmem>>) semaphore(%arg12 : memref<!tpu.dma_semaphore, #tpu.memory_space<semaphore_mem>>)
    %scan3A = arith.constant 0 : i32
    %scan3A_9 = arith.constant 0 : i32
    %scan3A_10 = arith.constant 20 : i32
    %scan3A_11 = arith.addi %scan3A_9, %scan3A_10 : i32
    %scan3A_12 = arith.constant 1 : i32
    scf.for %scan3A_28 = %scan3A_9 to %scan3A_11 step %scan3A_12  : i32 {
      %mul3A_29 = arith.constant 2 : i32
      %mul3A_30 = arith.muli %mul3A_29, %scan3A_28 : i32
      %add3A_31 = arith.constant 1 : i32
      %add3A_32 = arith.addi %mul3A_30, %add3A_31 : i32
      %add3A_33 = arith.constant 2 : i32
      %add3A_34 = arith.addi %mul3A_30, %add3A_33 : i32
      %dma_start3A_35 = arith.constant 0 : i32
      %dma_start3A_36 = tpu.memref_slice %arg8[%add3A_32, %dma_start3A_35] : memref<40x128xi32, #tpu.memory_space<vmem>> -> memref<1x128xi32, #tpu.memory_space<vmem>>
      %dma_start3A_37 = tpu.memref_squeeze %dma_start3A_36 : memref<1x128xi32, #tpu.memory_space<vmem>> -> memref<128xi32, #tpu.memory_space<vmem>>
      %dma_start3A_38 = arith.constant 0 : i32
      %dma_start3A_39 = arith.constant 0 : i32
      %dma_start3A_40 = tpu.memref_slice %arg2[%dma_start3A_38, %dma_start3A_39] : memref<10368x128xf32, #tpu.memory_space<hbm>> -> memref<10368x128xf32, #tpu.memory_space<hbm>>
      tpu.enqueue_indirect_dma source(%dma_start3A_40 : memref<10368x128xf32, #tpu.memory_space<hbm>>) target(%arg11 : memref<128x128xf32, #tpu.memory_space<vmem>>) offsets(%dma_start3A_37 : memref<128xi32, #tpu.memory_space<vmem>>) semaphore(%arg13 : memref<!tpu.dma_semaphore, #tpu.memory_space<semaphore_mem>>)
      %dma_wait3A = arith.constant 0 : i32
      %dma_wait3A_41 = tpu.memref_slice %arg8[%mul3A_30, %dma_wait3A] : memref<40x128xi32, #tpu.memory_space<vmem>> -> memref<1x128xi32, #tpu.memory_space<vmem>>
      %dma_wait3A_42 = tpu.memref_squeeze %dma_wait3A_41 : memref<1x128xi32, #tpu.memory_space<vmem>> -> memref<128xi32, #tpu.memory_space<vmem>>
      %dma_wait3A_43 = arith.constant 0 : i32
      %dma_wait3A_44 = arith.constant 0 : i32
      %dma_wait3A_45 = tpu.memref_slice %arg2[%dma_wait3A_43, %dma_wait3A_44] : memref<10368x128xf32, #tpu.memory_space<hbm>> -> memref<10368x128xf32, #tpu.memory_space<hbm>>
      tpu.wait_indirect_dma semaphore(%arg12 : memref<!tpu.dma_semaphore, #tpu.memory_space<semaphore_mem>>) src(%dma_wait3A_45 : memref<10368x128xf32, #tpu.memory_space<hbm>>) dst(%arg10 : memref<128x128xf32, #tpu.memory_space<vmem>>)
      "tpu.region"() ({
        %run_scoped3A = tpu.sem_alloc : memref<!tpu.dma_semaphore, #tpu.memory_space<semaphore_mem>>
        %dma_start3A_54 = arith.constant 0 : i32
        %dma_start3A_55 = tpu.memref_slice %arg9[%mul3A_30, %dma_start3A_54] : memref<40x128xi32, #tpu.memory_space<vmem>> -> memref<1x128xi32, #tpu.memory_space<vmem>>
        %dma_start3A_56 = tpu.memref_squeeze %dma_start3A_55 : memref<1x128xi32, #tpu.memory_space<vmem>> -> memref<128xi32, #tpu.memory_space<vmem>>
        %dma_start3A_57 = arith.constant 0 : i32
        %dma_start3A_58 = arith.constant 0 : i32
        %dma_start3A_59 = tpu.memref_slice %arg7[%dma_start3A_57, %dma_start3A_58] : memref<10112x128xf32, #tpu.memory_space<vmem_shared>> -> memref<10112x128xf32, #tpu.memory_space<vmem_shared>>
        tpu.enqueue_indirect_dma source(%arg10 : memref<128x128xf32, #tpu.memory_space<vmem>>) target(%dma_start3A_59 : memref<10112x128xf32, #tpu.memory_space<vmem_shared>>) offsets(%dma_start3A_56 : memref<128xi32, #tpu.memory_space<vmem>>) semaphore(%run_scoped3A : memref<!tpu.dma_semaphore, #tpu.memory_space<semaphore_mem>>) {add = true}
        %dma_wait3A_60 = arith.constant 0 : i32
        %dma_wait3A_61 = tpu.memref_slice %arg9[%mul3A_30, %dma_wait3A_60] : memref<40x128xi32, #tpu.memory_space<vmem>> -> memref<1x128xi32, #tpu.memory_space<vmem>>
        %dma_wait3A_62 = tpu.memref_squeeze %dma_wait3A_61 : memref<1x128xi32, #tpu.memory_space<vmem>> -> memref<128xi32, #tpu.memory_space<vmem>>
        %dma_wait3A_63 = arith.constant 0 : i32
        %dma_wait3A_64 = arith.constant 0 : i32
        %dma_wait3A_65 = tpu.memref_slice %arg7[%dma_wait3A_63, %dma_wait3A_64] : memref<10112x128xf32, #tpu.memory_space<vmem_shared>> -> memref<10112x128xf32, #tpu.memory_space<vmem_shared>>
        tpu.wait_indirect_dma semaphore(%run_scoped3A : memref<!tpu.dma_semaphore, #tpu.memory_space<semaphore_mem>>) src(%arg10 : memref<128x128xf32, #tpu.memory_space<vmem>>) dst(%dma_wait3A_65 : memref<10112x128xf32, #tpu.memory_space<vmem_shared>>)
        tpu.yield
      }) : () -> ()
      %lt3A = arith.constant 40 : i32
      %lt3A_46 = arith.cmpi slt, %add3A_34, %lt3A : i32
      %convert_element_type3A = arith.extui %lt3A_46 : i1 to i32
      %cond3A = arith.constant 0 : i32
      %cond3A_47 = arith.cmpi ne, %convert_element_type3A, %cond3A : i32
      scf.if %cond3A_47 {
        %dma_start3A_54 = arith.constant 0 : i32
        %dma_start3A_55 = tpu.memref_slice %arg8[%add3A_34, %dma_start3A_54] : memref<40x128xi32, #tpu.memory_space<vmem>> -> memref<1x128xi32, #tpu.memory_space<vmem>>
        %dma_start3A_56 = tpu.memref_squeeze %dma_start3A_55 : memref<1x128xi32, #tpu.memory_space<vmem>> -> memref<128xi32, #tpu.memory_space<vmem>>
        %dma_start3A_57 = arith.constant 0 : i32
        %dma_start3A_58 = arith.constant 0 : i32
        %dma_start3A_59 = tpu.memref_slice %arg2[%dma_start3A_57, %dma_start3A_58] : memref<10368x128xf32, #tpu.memory_space<hbm>> -> memref<10368x128xf32, #tpu.memory_space<hbm>>
        tpu.enqueue_indirect_dma source(%dma_start3A_59 : memref<10368x128xf32, #tpu.memory_space<hbm>>) target(%arg10 : memref<128x128xf32, #tpu.memory_space<vmem>>) offsets(%dma_start3A_56 : memref<128xi32, #tpu.memory_space<vmem>>) semaphore(%arg12 : memref<!tpu.dma_semaphore, #tpu.memory_space<semaphore_mem>>)
      } else {
      }
      %dma_wait3A_48 = arith.constant 0 : i32
      %dma_wait3A_49 = tpu.memref_slice %arg8[%add3A_32, %dma_wait3A_48] : memref<40x128xi32, #tpu.memory_space<vmem>> -> memref<1x128xi32, #tpu.memory_space<vmem>>
      %dma_wait3A_50 = tpu.memref_squeeze %dma_wait3A_49 : memref<1x128xi32, #tpu.memory_space<vmem>> -> memref<128xi32, #tpu.memory_space<vmem>>
      %dma_wait3A_51 = arith.constant 0 : i32
      %dma_wait3A_52 = arith.constant 0 : i32
      %dma_wait3A_53 = tpu.memref_slice %arg2[%dma_wait3A_51, %dma_wait3A_52] : memref<10368x128xf32, #tpu.memory_space<hbm>> -> memref<10368x128xf32, #tpu.memory_space<hbm>>
      tpu.wait_indirect_dma semaphore(%arg13 : memref<!tpu.dma_semaphore, #tpu.memory_space<semaphore_mem>>) src(%dma_wait3A_53 : memref<10368x128xf32, #tpu.memory_space<hbm>>) dst(%arg11 : memref<128x128xf32, #tpu.memory_space<vmem>>)
      "tpu.region"() ({
        %run_scoped3A = tpu.sem_alloc : memref<!tpu.dma_semaphore, #tpu.memory_space<semaphore_mem>>
        %dma_start3A_54 = arith.constant 0 : i32
        %dma_start3A_55 = tpu.memref_slice %arg9[%add3A_32, %dma_start3A_54] : memref<40x128xi32, #tpu.memory_space<vmem>> -> memref<1x128xi32, #tpu.memory_space<vmem>>
        %dma_start3A_56 = tpu.memref_squeeze %dma_start3A_55 : memref<1x128xi32, #tpu.memory_space<vmem>> -> memref<128xi32, #tpu.memory_space<vmem>>
        %dma_start3A_57 = arith.constant 0 : i32
        %dma_start3A_58 = arith.constant 0 : i32
        %dma_start3A_59 = tpu.memref_slice %arg7[%dma_start3A_57, %dma_start3A_58] : memref<10112x128xf32, #tpu.memory_space<vmem_shared>> -> memref<10112x128xf32, #tpu.memory_space<vmem_shared>>
        tpu.enqueue_indirect_dma source(%arg11 : memref<128x128xf32, #tpu.memory_space<vmem>>) target(%dma_start3A_59 : memref<10112x128xf32, #tpu.memory_space<vmem_shared>>) offsets(%dma_start3A_56 : memref<128xi32, #tpu.memory_space<vmem>>) semaphore(%run_scoped3A : memref<!tpu.dma_semaphore, #tpu.memory_space<semaphore_mem>>) {add = true}
        %dma_wait3A_60 = arith.constant 0 : i32
        %dma_wait3A_61 = tpu.memref_slice %arg9[%add3A_32, %dma_wait3A_60] : memref<40x128xi32, #tpu.memory_space<vmem>> -> memref<1x128xi32, #tpu.memory_space<vmem>>
        %dma_wait3A_62 = tpu.memref_squeeze %dma_wait3A_61 : memref<1x128xi32, #tpu.memory_space<vmem>> -> memref<128xi32, #tpu.memory_space<vmem>>
        %dma_wait3A_63 = arith.constant 0 : i32
        %dma_wait3A_64 = arith.constant 0 : i32
        %dma_wait3A_65 = tpu.memref_slice %arg7[%dma_wait3A_63, %dma_wait3A_64] : memref<10112x128xf32, #tpu.memory_space<vmem_shared>> -> memref<10112x128xf32, #tpu.memory_space<vmem_shared>>
        tpu.wait_indirect_dma semaphore(%run_scoped3A : memref<!tpu.dma_semaphore, #tpu.memory_space<semaphore_mem>>) src(%arg11 : memref<128x128xf32, #tpu.memory_space<vmem>>) dst(%dma_wait3A_65 : memref<10112x128xf32, #tpu.memory_space<vmem_shared>>)
        tpu.yield
      }) : () -> ()
    }
    %scan3A_13 = arith.constant 20 : i32
    "tpu.region"() ({
      %run_scoped3A = tpu.sem_alloc : memref<!tpu.dma_semaphore, #tpu.memory_space<semaphore_mem>>
      %dma_start3A_28 = arith.constant 0 : i32
      %dma_start3A_29 = arith.constant 0 : i32
      %dma_start3A_30 = tpu.memref_slice %arg8[%dma_start3A_28, %dma_start3A_29] : memref<40x128xi32, #tpu.memory_space<vmem>> -> memref<40x128xi32, #tpu.memory_space<vmem>>
      %dma_start3A_31 = arith.constant 40 : i32
      %dma_start3A_32 = arith.constant 0 : i32
      %dma_start3A_33 = tpu.memref_slice %arg3[%add3A, %dma_start3A_31, %dma_start3A_32] : memref<32x80x128xi32, #tpu.memory_space<hbm>> -> memref<1x40x128xi32, #tpu.memory_space<hbm>>
      %dma_start3A_34 = tpu.memref_squeeze %dma_start3A_33 : memref<1x40x128xi32, #tpu.memory_space<hbm>> -> memref<40x128xi32, #tpu.memory_space<hbm>>
      %dma_start3A_35 = arith.constant 0 : i32
      %dma_start3A_36 = arith.constant 0 : i32
      %dma_start3A_37 = tpu.memref_slice %arg8[%dma_start3A_35, %dma_start3A_36] : memref<40x128xi32, #tpu.memory_space<vmem>> -> memref<40x128xi32, #tpu.memory_space<vmem>>
      %dma_start3A_38 = arith.constant 40 : i32
      %dma_start3A_39 = arith.constant 0 : i32
      %dma_start3A_40 = tpu.memref_slice %arg3[%add3A, %dma_start3A_38, %dma_start3A_39] : memref<32x80x128xi32, #tpu.memory_space<hbm>> -> memref<1x40x128xi32, #tpu.memory_space<hbm>>
      %dma_start3A_41 = tpu.memref_squeeze %dma_start3A_40 : memref<1x40x128xi32, #tpu.memory_space<hbm>> -> memref<40x128xi32, #tpu.memory_space<hbm>>
      tpu.enqueue_dma source(%dma_start3A_41 : memref<40x128xi32, #tpu.memory_space<hbm>>) target(%dma_start3A_37 : memref<40x128xi32, #tpu.memory_space<vmem>>) target_semaphore(%run_scoped3A : memref<!tpu.dma_semaphore, #tpu.memory_space<semaphore_mem>>)
      %dma_wait3A = arith.constant 0 : i32
      %dma_wait3A_42 = arith.constant 0 : i32
      %dma_wait3A_43 = tpu.memref_slice %arg8[%dma_wait3A, %dma_wait3A_42] : memref<40x128xi32, #tpu.memory_space<vmem>> -> memref<40x128xi32, #tpu.memory_space<vmem>>
      %dma_wait3A_44 = arith.constant 40 : i32
      %dma_wait3A_45 = arith.constant 0 : i32
      %dma_wait3A_46 = tpu.memref_slice %arg3[%add3A, %dma_wait3A_44, %dma_wait3A_45] : memref<32x80x128xi32, #tpu.memory_space<hbm>> -> memref<1x40x128xi32, #tpu.memory_space<hbm>>
      %dma_wait3A_47 = tpu.memref_squeeze %dma_wait3A_46 : memref<1x40x128xi32, #tpu.memory_space<hbm>> -> memref<40x128xi32, #tpu.memory_space<hbm>>
      %dma_wait3A_48 = arith.constant 0 : i32
      %dma_wait3A_49 = arith.constant 0 : i32
      %dma_wait3A_50 = tpu.memref_slice %arg8[%dma_wait3A_48, %dma_wait3A_49] : memref<40x128xi32, #tpu.memory_space<vmem>> -> memref<40x128xi32, #tpu.memory_space<vmem>>
      %dma_wait3A_51 = arith.constant 40 : i32
      %dma_wait3A_52 = arith.constant 0 : i32
      %dma_wait3A_53 = tpu.memref_slice %arg3[%add3A, %dma_wait3A_51, %dma_wait3A_52] : memref<32x80x128xi32, #tpu.memory_space<hbm>> -> memref<1x40x128xi32, #tpu.memory_space<hbm>>
      %dma_wait3A_54 = tpu.memref_squeeze %dma_wait3A_53 : memref<1x40x128xi32, #tpu.memory_space<hbm>> -> memref<40x128xi32, #tpu.memory_space<hbm>>
      tpu.wait_dma2 semaphore(%run_scoped3A : memref<!tpu.dma_semaphore, #tpu.memory_space<semaphore_mem>>) src(%dma_wait3A_54 : memref<40x128xi32, #tpu.memory_space<hbm>>) dst(%dma_wait3A_50 : memref<40x128xi32, #tpu.memory_space<vmem>>)
      tpu.yield
    }) : () -> ()
    "tpu.region"() ({
      %run_scoped3A = tpu.sem_alloc : memref<!tpu.dma_semaphore, #tpu.memory_space<semaphore_mem>>
      %dma_start3A_28 = arith.constant 0 : i32
      %dma_start3A_29 = arith.constant 0 : i32
      %dma_start3A_30 = tpu.memref_slice %arg9[%dma_start3A_28, %dma_start3A_29] : memref<40x128xi32, #tpu.memory_space<vmem>> -> memref<40x128xi32, #tpu.memory_space<vmem>>
      %dma_start3A_31 = arith.constant 40 : i32
      %dma_start3A_32 = arith.constant 0 : i32
      %dma_start3A_33 = tpu.memref_slice %arg4[%add3A, %dma_start3A_31, %dma_start3A_32] : memref<32x80x128xi32, #tpu.memory_space<hbm>> -> memref<1x40x128xi32, #tpu.memory_space<hbm>>
      %dma_start3A_34 = tpu.memref_squeeze %dma_start3A_33 : memref<1x40x128xi32, #tpu.memory_space<hbm>> -> memref<40x128xi32, #tpu.memory_space<hbm>>
      %dma_start3A_35 = arith.constant 0 : i32
      %dma_start3A_36 = arith.constant 0 : i32
      %dma_start3A_37 = tpu.memref_slice %arg9[%dma_start3A_35, %dma_start3A_36] : memref<40x128xi32, #tpu.memory_space<vmem>> -> memref<40x128xi32, #tpu.memory_space<vmem>>
      %dma_start3A_38 = arith.constant 40 : i32
      %dma_start3A_39 = arith.constant 0 : i32
      %dma_start3A_40 = tpu.memref_slice %arg4[%add3A, %dma_start3A_38, %dma_start3A_39] : memref<32x80x128xi32, #tpu.memory_space<hbm>> -> memref<1x40x128xi32, #tpu.memory_space<hbm>>
      %dma_start3A_41 = tpu.memref_squeeze %dma_start3A_40 : memref<1x40x128xi32, #tpu.memory_space<hbm>> -> memref<40x128xi32, #tpu.memory_space<hbm>>
      tpu.enqueue_dma source(%dma_start3A_41 : memref<40x128xi32, #tpu.memory_space<hbm>>) target(%dma_start3A_37 : memref<40x128xi32, #tpu.memory_space<vmem>>) target_semaphore(%run_scoped3A : memref<!tpu.dma_semaphore, #tpu.memory_space<semaphore_mem>>)
      %dma_wait3A = arith.constant 0 : i32
      %dma_wait3A_42 = arith.constant 0 : i32
      %dma_wait3A_43 = tpu.memref_slice %arg9[%dma_wait3A, %dma_wait3A_42] : memref<40x128xi32, #tpu.memory_space<vmem>> -> memref<40x128xi32, #tpu.memory_space<vmem>>
      %dma_wait3A_44 = arith.constant 40 : i32
      %dma_wait3A_45 = arith.constant 0 : i32
      %dma_wait3A_46 = tpu.memref_slice %arg4[%add3A, %dma_wait3A_44, %dma_wait3A_45] : memref<32x80x128xi32, #tpu.memory_space<hbm>> -> memref<1x40x128xi32, #tpu.memory_space<hbm>>
      %dma_wait3A_47 = tpu.memref_squeeze %dma_wait3A_46 : memref<1x40x128xi32, #tpu.memory_space<hbm>> -> memref<40x128xi32, #tpu.memory_space<hbm>>
      %dma_wait3A_48 = arith.constant 0 : i32
      %dma_wait3A_49 = arith.constant 0 : i32
      %dma_wait3A_50 = tpu.memref_slice %arg9[%dma_wait3A_48, %dma_wait3A_49] : memref<40x128xi32, #tpu.memory_space<vmem>> -> memref<40x128xi32, #tpu.memory_space<vmem>>
      %dma_wait3A_51 = arith.constant 40 : i32
      %dma_wait3A_52 = arith.constant 0 : i32
      %dma_wait3A_53 = tpu.memref_slice %arg4[%add3A, %dma_wait3A_51, %dma_wait3A_52] : memref<32x80x128xi32, #tpu.memory_space<hbm>> -> memref<1x40x128xi32, #tpu.memory_space<hbm>>
      %dma_wait3A_54 = tpu.memref_squeeze %dma_wait3A_53 : memref<1x40x128xi32, #tpu.memory_space<hbm>> -> memref<40x128xi32, #tpu.memory_space<hbm>>
      tpu.wait_dma2 semaphore(%run_scoped3A : memref<!tpu.dma_semaphore, #tpu.memory_space<semaphore_mem>>) src(%dma_wait3A_54 : memref<40x128xi32, #tpu.memory_space<hbm>>) dst(%dma_wait3A_50 : memref<40x128xi32, #tpu.memory_space<vmem>>)
      tpu.yield
    }) : () -> ()
    %dma_start3A_14 = arith.constant 0 : i32
    %dma_start3A_15 = arith.constant 0 : i32
    %dma_start3A_16 = tpu.memref_slice %arg8[%dma_start3A_14, %dma_start3A_15] : memref<40x128xi32, #tpu.memory_space<vmem>> -> memref<1x128xi32, #tpu.memory_space<vmem>>
    %dma_start3A_17 = tpu.memref_squeeze %dma_start3A_16 : memref<1x128xi32, #tpu.memory_space<vmem>> -> memref<128xi32, #tpu.memory_space<vmem>>
    %dma_start3A_18 = arith.constant 0 : i32
    %dma_start3A_19 = arith.constant 0 : i32
    %dma_start3A_20 = tpu.memref_slice %arg2[%dma_start3A_18, %dma_start3A_19] : memref<10368x128xf32, #tpu.memory_space<hbm>> -> memref<10368x128xf32, #tpu.memory_space<hbm>>
    tpu.enqueue_indirect_dma source(%dma_start3A_20 : memref<10368x128xf32, #tpu.memory_space<hbm>>) target(%arg10 : memref<128x128xf32, #tpu.memory_space<vmem>>) offsets(%dma_start3A_17 : memref<128xi32, #tpu.memory_space<vmem>>) semaphore(%arg12 : memref<!tpu.dma_semaphore, #tpu.memory_space<semaphore_mem>>)
    %scan3A_21 = arith.constant 0 : i32
    %scan3A_22 = arith.constant 0 : i32
    %scan3A_23 = arith.constant 20 : i32
    %scan3A_24 = arith.addi %scan3A_22, %scan3A_23 : i32
    %scan3A_25 = arith.constant 1 : i32
    scf.for %scan3A_28 = %scan3A_22 to %scan3A_24 step %scan3A_25  : i32 {
      %mul3A_29 = arith.constant 2 : i32
      %mul3A_30 = arith.muli %mul3A_29, %scan3A_28 : i32
      %add3A_31 = arith.constant 1 : i32
      %add3A_32 = arith.addi %mul3A_30, %add3A_31 : i32
      %add3A_33 = arith.constant 2 : i32
      %add3A_34 = arith.addi %mul3A_30, %add3A_33 : i32
      %dma_start3A_35 = arith.constant 0 : i32
      %dma_start3A_36 = tpu.memref_slice %arg8[%add3A_32, %dma_start3A_35] : memref<40x128xi32, #tpu.memory_space<vmem>> -> memref<1x128xi32, #tpu.memory_space<vmem>>
      %dma_start3A_37 = tpu.memref_squeeze %dma_start3A_36 : memref<1x128xi32, #tpu.memory_space<vmem>> -> memref<128xi32, #tpu.memory_space<vmem>>
      %dma_start3A_38 = arith.constant 0 : i32
      %dma_start3A_39 = arith.constant 0 : i32
      %dma_start3A_40 = tpu.memref_slice %arg2[%dma_start3A_38, %dma_start3A_39] : memref<10368x128xf32, #tpu.memory_space<hbm>> -> memref<10368x128xf32, #tpu.memory_space<hbm>>
      tpu.enqueue_indirect_dma source(%dma_start3A_40 : memref<10368x128xf32, #tpu.memory_space<hbm>>) target(%arg11 : memref<128x128xf32, #tpu.memory_space<vmem>>) offsets(%dma_start3A_37 : memref<128xi32, #tpu.memory_space<vmem>>) semaphore(%arg13 : memref<!tpu.dma_semaphore, #tpu.memory_space<semaphore_mem>>)
      %dma_wait3A = arith.constant 0 : i32
      %dma_wait3A_41 = tpu.memref_slice %arg8[%mul3A_30, %dma_wait3A] : memref<40x128xi32, #tpu.memory_space<vmem>> -> memref<1x128xi32, #tpu.memory_space<vmem>>
      %dma_wait3A_42 = tpu.memref_squeeze %dma_wait3A_41 : memref<1x128xi32, #tpu.memory_space<vmem>> -> memref<128xi32, #tpu.memory_space<vmem>>
      %dma_wait3A_43 = arith.constant 0 : i32
      %dma_wait3A_44 = arith.constant 0 : i32
      %dma_wait3A_45 = tpu.memref_slice %arg2[%dma_wait3A_43, %dma_wait3A_44] : memref<10368x128xf32, #tpu.memory_space<hbm>> -> memref<10368x128xf32, #tpu.memory_space<hbm>>
      tpu.wait_indirect_dma semaphore(%arg12 : memref<!tpu.dma_semaphore, #tpu.memory_space<semaphore_mem>>) src(%dma_wait3A_45 : memref<10368x128xf32, #tpu.memory_space<hbm>>) dst(%arg10 : memref<128x128xf32, #tpu.memory_space<vmem>>)
      "tpu.region"() ({
        %run_scoped3A = tpu.sem_alloc : memref<!tpu.dma_semaphore, #tpu.memory_space<semaphore_mem>>
        %dma_start3A_54 = arith.constant 0 : i32
        %dma_start3A_55 = tpu.memref_slice %arg9[%mul3A_30, %dma_start3A_54] : memref<40x128xi32, #tpu.memory_space<vmem>> -> memref<1x128xi32, #tpu.memory_space<vmem>>
        %dma_start3A_56 = tpu.memref_squeeze %dma_start3A_55 : memref<1x128xi32, #tpu.memory_space<vmem>> -> memref<128xi32, #tpu.memory_space<vmem>>
        %dma_start3A_57 = arith.constant 0 : i32
        %dma_start3A_58 = arith.constant 0 : i32
        %dma_start3A_59 = tpu.memref_slice %arg7[%dma_start3A_57, %dma_start3A_58] : memref<10112x128xf32, #tpu.memory_space<vmem_shared>> -> memref<10112x128xf32, #tpu.memory_space<vmem_shared>>
        tpu.enqueue_indirect_dma source(%arg10 : memref<128x128xf32, #tpu.memory_space<vmem>>) target(%dma_start3A_59 : memref<10112x128xf32, #tpu.memory_space<vmem_shared>>) offsets(%dma_start3A_56 : memref<128xi32, #tpu.memory_space<vmem>>) semaphore(%run_scoped3A : memref<!tpu.dma_semaphore, #tpu.memory_space<semaphore_mem>>) {add = true}
        %dma_wait3A_60 = arith.constant 0 : i32
        %dma_wait3A_61 = tpu.memref_slice %arg9[%mul3A_30, %dma_wait3A_60] : memref<40x128xi32, #tpu.memory_space<vmem>> -> memref<1x128xi32, #tpu.memory_space<vmem>>
        %dma_wait3A_62 = tpu.memref_squeeze %dma_wait3A_61 : memref<1x128xi32, #tpu.memory_space<vmem>> -> memref<128xi32, #tpu.memory_space<vmem>>
        %dma_wait3A_63 = arith.constant 0 : i32
        %dma_wait3A_64 = arith.constant 0 : i32
        %dma_wait3A_65 = tpu.memref_slice %arg7[%dma_wait3A_63, %dma_wait3A_64] : memref<10112x128xf32, #tpu.memory_space<vmem_shared>> -> memref<10112x128xf32, #tpu.memory_space<vmem_shared>>
        tpu.wait_indirect_dma semaphore(%run_scoped3A : memref<!tpu.dma_semaphore, #tpu.memory_space<semaphore_mem>>) src(%arg10 : memref<128x128xf32, #tpu.memory_space<vmem>>) dst(%dma_wait3A_65 : memref<10112x128xf32, #tpu.memory_space<vmem_shared>>)
        tpu.yield
      }) : () -> ()
      %lt3A = arith.constant 40 : i32
      %lt3A_46 = arith.cmpi slt, %add3A_34, %lt3A : i32
      %convert_element_type3A = arith.extui %lt3A_46 : i1 to i32
      %cond3A = arith.constant 0 : i32
      %cond3A_47 = arith.cmpi ne, %convert_element_type3A, %cond3A : i32
      scf.if %cond3A_47 {
        %dma_start3A_54 = arith.constant 0 : i32
        %dma_start3A_55 = tpu.memref_slice %arg8[%add3A_34, %dma_start3A_54] : memref<40x128xi32, #tpu.memory_space<vmem>> -> memref<1x128xi32, #tpu.memory_space<vmem>>
        %dma_start3A_56 = tpu.memref_squeeze %dma_start3A_55 : memref<1x128xi32, #tpu.memory_space<vmem>> -> memref<128xi32, #tpu.memory_space<vmem>>
        %dma_start3A_57 = arith.constant 0 : i32
        %dma_start3A_58 = arith.constant 0 : i32
        %dma_start3A_59 = tpu.memref_slice %arg2[%dma_start3A_57, %dma_start3A_58] : memref<10368x128xf32, #tpu.memory_space<hbm>> -> memref<10368x128xf32, #tpu.memory_space<hbm>>
        tpu.enqueue_indirect_dma source(%dma_start3A_59 : memref<10368x128xf32, #tpu.memory_space<hbm>>) target(%arg10 : memref<128x128xf32, #tpu.memory_space<vmem>>) offsets(%dma_start3A_56 : memref<128xi32, #tpu.memory_space<vmem>>) semaphore(%arg12 : memref<!tpu.dma_semaphore, #tpu.memory_space<semaphore_mem>>)
      } else {
      }
      %dma_wait3A_48 = arith.constant 0 : i32
      %dma_wait3A_49 = tpu.memref_slice %arg8[%add3A_32, %dma_wait3A_48] : memref<40x128xi32, #tpu.memory_space<vmem>> -> memref<1x128xi32, #tpu.memory_space<vmem>>
      %dma_wait3A_50 = tpu.memref_squeeze %dma_wait3A_49 : memref<1x128xi32, #tpu.memory_space<vmem>> -> memref<128xi32, #tpu.memory_space<vmem>>
      %dma_wait3A_51 = arith.constant 0 : i32
      %dma_wait3A_52 = arith.constant 0 : i32
      %dma_wait3A_53 = tpu.memref_slice %arg2[%dma_wait3A_51, %dma_wait3A_52] : memref<10368x128xf32, #tpu.memory_space<hbm>> -> memref<10368x128xf32, #tpu.memory_space<hbm>>
      tpu.wait_indirect_dma semaphore(%arg13 : memref<!tpu.dma_semaphore, #tpu.memory_space<semaphore_mem>>) src(%dma_wait3A_53 : memref<10368x128xf32, #tpu.memory_space<hbm>>) dst(%arg11 : memref<128x128xf32, #tpu.memory_space<vmem>>)
      "tpu.region"() ({
        %run_scoped3A = tpu.sem_alloc : memref<!tpu.dma_semaphore, #tpu.memory_space<semaphore_mem>>
        %dma_start3A_54 = arith.constant 0 : i32
        %dma_start3A_55 = tpu.memref_slice %arg9[%add3A_32, %dma_start3A_54] : memref<40x128xi32, #tpu.memory_space<vmem>> -> memref<1x128xi32, #tpu.memory_space<vmem>>
        %dma_start3A_56 = tpu.memref_squeeze %dma_start3A_55 : memref<1x128xi32, #tpu.memory_space<vmem>> -> memref<128xi32, #tpu.memory_space<vmem>>
        %dma_start3A_57 = arith.constant 0 : i32
        %dma_start3A_58 = arith.constant 0 : i32
        %dma_start3A_59 = tpu.memref_slice %arg7[%dma_start3A_57, %dma_start3A_58] : memref<10112x128xf32, #tpu.memory_space<vmem_shared>> -> memref<10112x128xf32, #tpu.memory_space<vmem_shared>>
        tpu.enqueue_indirect_dma source(%arg11 : memref<128x128xf32, #tpu.memory_space<vmem>>) target(%dma_start3A_59 : memref<10112x128xf32, #tpu.memory_space<vmem_shared>>) offsets(%dma_start3A_56 : memref<128xi32, #tpu.memory_space<vmem>>) semaphore(%run_scoped3A : memref<!tpu.dma_semaphore, #tpu.memory_space<semaphore_mem>>) {add = true}
        %dma_wait3A_60 = arith.constant 0 : i32
        %dma_wait3A_61 = tpu.memref_slice %arg9[%add3A_32, %dma_wait3A_60] : memref<40x128xi32, #tpu.memory_space<vmem>> -> memref<1x128xi32, #tpu.memory_space<vmem>>
        %dma_wait3A_62 = tpu.memref_squeeze %dma_wait3A_61 : memref<1x128xi32, #tpu.memory_space<vmem>> -> memref<128xi32, #tpu.memory_space<vmem>>
        %dma_wait3A_63 = arith.constant 0 : i32
        %dma_wait3A_64 = arith.constant 0 : i32
        %dma_wait3A_65 = tpu.memref_slice %arg7[%dma_wait3A_63, %dma_wait3A_64] : memref<10112x128xf32, #tpu.memory_space<vmem_shared>> -> memref<10112x128xf32, #tpu.memory_space<vmem_shared>>
        tpu.wait_indirect_dma semaphore(%run_scoped3A : memref<!tpu.dma_semaphore, #tpu.memory_space<semaphore_mem>>) src(%arg11 : memref<128x128xf32, #tpu.memory_space<vmem>>) dst(%dma_wait3A_65 : memref<10112x128xf32, #tpu.memory_space<vmem_shared>>)
        tpu.yield
      }) : () -> ()
    }
    %scan3A_26 = arith.constant 20 : i32
    %barrier3A_27 = arith.constant 0 : index
    tpu.barrier barrier_id(%barrier3A_27)
    "tpu.region"() ({
      %run_scoped3A = tpu.sem_alloc : memref<!tpu.dma_semaphore, #tpu.memory_space<semaphore_mem>>
      %dma_start3A_28 = arith.constant 0 : i32
      %dma_start3A_29 = tpu.memref_slice %arg6[%arg0, %mul3A_2, %dma_start3A_28] : memref<2x10368x128xf32, #tpu.memory_space<hbm>> -> memref<1x632x128xf32, #tpu.memory_space<hbm>>
      %dma_start3A_30 = tpu.memref_squeeze %dma_start3A_29 : memref<1x632x128xf32, #tpu.memory_space<hbm>> -> memref<632x128xf32, #tpu.memory_space<hbm>>
      %dma_start3A_31 = arith.constant 0 : i32
      %dma_start3A_32 = tpu.memref_slice %arg7[%mul3A_2, %dma_start3A_31] : memref<10112x128xf32, #tpu.memory_space<vmem_shared>> -> memref<632x128xf32, #tpu.memory_space<vmem_shared>>
      tpu.enqueue_dma source(%dma_start3A_32 : memref<632x128xf32, #tpu.memory_space<vmem_shared>>) target(%dma_start3A_30 : memref<632x128xf32, #tpu.memory_space<hbm>>) target_semaphore(%run_scoped3A : memref<!tpu.dma_semaphore, #tpu.memory_space<semaphore_mem>>)
      %dma_wait3A = arith.constant 0 : i32
      %dma_wait3A_33 = tpu.memref_slice %arg6[%arg0, %mul3A_2, %dma_wait3A] : memref<2x10368x128xf32, #tpu.memory_space<hbm>> -> memref<1x632x128xf32, #tpu.memory_space<hbm>>
      %dma_wait3A_34 = tpu.memref_squeeze %dma_wait3A_33 : memref<1x632x128xf32, #tpu.memory_space<hbm>> -> memref<632x128xf32, #tpu.memory_space<hbm>>
      %dma_wait3A_35 = arith.constant 0 : i32
      %dma_wait3A_36 = tpu.memref_slice %arg7[%mul3A_2, %dma_wait3A_35] : memref<10112x128xf32, #tpu.memory_space<vmem_shared>> -> memref<632x128xf32, #tpu.memory_space<vmem_shared>>
      tpu.wait_dma2 semaphore(%run_scoped3A : memref<!tpu.dma_semaphore, #tpu.memory_space<semaphore_mem>>) src(%dma_wait3A_36 : memref<632x128xf32, #tpu.memory_space<vmem_shared>>) dst(%dma_wait3A_34 : memref<632x128xf32, #tpu.memory_space<hbm>>)
      tpu.yield
    }) : () -> ()
    return
  }
}

module attributes {stable_mosaic.version = 14 : i64} {
  func.func @_scale0_body(%arg0: i32, %arg1: memref<2x576x128xf32, #tpu.memory_space<vmem>>, %arg2: memref<576x128xf32, #tpu.memory_space<vmem>>, %arg3: memref<576x128xf32, #tpu.memory_space<vmem>>, %arg4: memref<576x128xf32, #tpu.memory_space<vmem>>) attributes {dimension_semantics = [#tpu.dimension_semantics<arbitrary>], iteration_bounds = array<i64: 18>, scalar_prefetch = 0 : i64, scratch_operands = 0 : i64, tpu.core_type = #tpu.core_type<tc>, window_params = [{transform_indices = @transform_0, window_bounds = array<i64: 2, 576, 128>}, {transform_indices = @transform_1, window_bounds = array<i64: 576, 128>}, {transform_indices = @transform_2, window_bounds = array<i64: 576, 128>}, {transform_indices = @transform_3, window_bounds = array<i64: 576, 128>}]} {
    %get3A = arith.constant 0 : index
    %get3A_0 = arith.constant 0 : index
    %get3A_1 = arith.constant 0 : index
    %get3A_2 = vector.load %arg1[%get3A, %get3A_0, %get3A_1] : memref<2x576x128xf32, #tpu.memory_space<vmem>>, vector<1x576x1xf32>
    %get3A_3 = vector.shape_cast %get3A_2 : vector<1x576x1xf32> to vector<576xf32>
    %get3A_4 = arith.constant 1 : index
    %get3A_5 = arith.constant 0 : index
    %get3A_6 = arith.constant 0 : index
    %get3A_7 = vector.load %arg1[%get3A_4, %get3A_5, %get3A_6] : memref<2x576x128xf32, #tpu.memory_space<vmem>>, vector<1x576x1xf32>
    %get3A_8 = vector.shape_cast %get3A_7 : vector<1x576x1xf32> to vector<576xf32>
    %add3A = arith.addf %get3A_3, %get3A_8 : vector<576xf32>
    %add3A_9 = arith.constant 1.000000e+00 : f32
    %add3A_10 = vector.broadcast %add3A_9 : f32 to vector<576xf32>
    %add3A_11 = arith.addf %add3A, %add3A_10 : vector<576xf32>
    %sqrt3A = math.sqrt %add3A_11 : vector<576xf32>
    %div3A = arith.constant 1.000000e+00 : f32
    %div3A_12 = vector.broadcast %div3A : f32 to vector<576xf32>
    %div3A_13 = arith.divf %div3A_12, %sqrt3A : vector<576xf32>
    %get3A_14 = arith.constant 0 : index
    %get3A_15 = arith.constant 0 : index
    %get3A_16 = vector.load %arg2[%get3A_14, %get3A_15] : memref<576x128xf32, #tpu.memory_space<vmem>>, vector<576x128xf32>
    %broadcast_in_dim3A = vector.shape_cast %div3A_13 : vector<576xf32> to vector<576x1xf32>
    %mul3A = vector.broadcast %broadcast_in_dim3A : vector<576x1xf32> to vector<576x128xf32>
    %mul3A_17 = arith.mulf %get3A_16, %mul3A : vector<576x128xf32>
    %swap3A = arith.constant 0 : index
    %swap3A_18 = arith.constant 0 : index
    %swap3A_19 = vector.load %arg3[%swap3A, %swap3A_18] : memref<576x128xf32, #tpu.memory_space<vmem>>, vector<576x128xf32>
    tpu.vector_store %arg3[%swap3A, %swap3A_18], %mul3A_17 {strides = array<i32>} : memref<576x128xf32, #tpu.memory_space<vmem>>, vector<576x128xf32>,
    %mul3A_20 = arith.constant 5.000000e-01 : f32
    %mul3A_21 = vector.broadcast %mul3A_20 : f32 to vector<576x128xf32>
    %mul3A_22 = arith.mulf %mul3A_21, %mul3A_17 : vector<576x128xf32>
    %swap3A_23 = arith.constant 0 : index
    %swap3A_24 = arith.constant 0 : index
    %swap3A_25 = vector.load %arg4[%swap3A_23, %swap3A_24] : memref<576x128xf32, #tpu.memory_space<vmem>>, vector<576x128xf32>
    tpu.vector_store %arg4[%swap3A_23, %swap3A_24], %mul3A_22 {strides = array<i32>} : memref<576x128xf32, #tpu.memory_space<vmem>>, vector<576x128xf32>,
    return
  }
  func.func @transform_0(%arg0: i32) -> (i32, i32, i32) {
    %c0_i32 = arith.constant 0 : i32
    %c0_i32_0 = arith.constant 0 : i32
    %c0_i32_1 = arith.constant 0 : i32
    return %c0_i32, %arg0, %c0_i32_0 : i32, i32, i32
  }
  func.func @transform_1(%arg0: i32) -> (i32, i32) {
    %c0_i32 = arith.constant 0 : i32
    %c0_i32_0 = arith.constant 0 : i32
    return %arg0, %c0_i32 : i32, i32
  }
  func.func @transform_2(%arg0: i32) -> (i32, i32) {
    %c0_i32 = arith.constant 0 : i32
    %c0_i32_0 = arith.constant 0 : i32
    return %arg0, %c0_i32 : i32, i32
  }
  func.func @transform_3(%arg0: i32) -> (i32, i32) {
    %c0_i32 = arith.constant 0 : i32
    %c0_i32_0 = arith.constant 0 : i32
    return %arg0, %c0_i32 : i32, i32
  }
}

module attributes {stable_mosaic.version = 14 : i64} {
  func.func @_mid_body(%arg0: i32, %arg1: memref<2x576x128xf32, #tpu.memory_space<vmem>>, %arg2: memref<2x576x128xf32, #tpu.memory_space<vmem>>, %arg3: memref<576x128xf32, #tpu.memory_space<vmem>>, %arg4: memref<576x128xf32, #tpu.memory_space<vmem>>) attributes {dimension_semantics = [#tpu.dimension_semantics<arbitrary>], iteration_bounds = array<i64: 18>, scalar_prefetch = 0 : i64, scratch_operands = 0 : i64, tpu.core_type = #tpu.core_type<tc>, window_params = [{transform_indices = @transform_0, window_bounds = array<i64: 2, 576, 128>}, {transform_indices = @transform_1, window_bounds = array<i64: 2, 576, 128>}, {transform_indices = @transform_2, window_bounds = array<i64: 576, 128>}, {transform_indices = @transform_3, window_bounds = array<i64: 576, 128>}]} {
    %get3A = arith.constant 0 : index
    %get3A_0 = arith.constant 0 : index
    %get3A_1 = arith.constant 0 : index
    %get3A_2 = vector.load %arg1[%get3A, %get3A_0, %get3A_1] : memref<2x576x128xf32, #tpu.memory_space<vmem>>, vector<1x576x1xf32>
    %get3A_3 = vector.shape_cast %get3A_2 : vector<1x576x1xf32> to vector<576xf32>
    %get3A_4 = arith.constant 1 : index
    %get3A_5 = arith.constant 0 : index
    %get3A_6 = arith.constant 0 : index
    %get3A_7 = vector.load %arg1[%get3A_4, %get3A_5, %get3A_6] : memref<2x576x128xf32, #tpu.memory_space<vmem>>, vector<1x576x1xf32>
    %get3A_8 = vector.shape_cast %get3A_7 : vector<1x576x1xf32> to vector<576xf32>
    %add3A = arith.addf %get3A_3, %get3A_8 : vector<576xf32>
    %add3A_9 = arith.constant 1.000000e+00 : f32
    %add3A_10 = vector.broadcast %add3A_9 : f32 to vector<576xf32>
    %add3A_11 = arith.addf %add3A, %add3A_10 : vector<576xf32>
    %sqrt3A = math.sqrt %add3A_11 : vector<576xf32>
    %div3A = arith.constant 1.000000e+00 : f32
    %div3A_12 = vector.broadcast %div3A : f32 to vector<576xf32>
    %div3A_13 = arith.divf %div3A_12, %sqrt3A : vector<576xf32>
    %get3A_14 = arith.constant 0 : index
    %get3A_15 = arith.constant 0 : index
    %get3A_16 = arith.constant 0 : index
    %get3A_17 = vector.load %arg2[%get3A_14, %get3A_15, %get3A_16] : memref<2x576x128xf32, #tpu.memory_space<vmem>>, vector<1x576x128xf32>
    %get3A_18 = vector.shape_cast %get3A_17 : vector<1x576x128xf32> to vector<576x128xf32>
    %get3A_19 = arith.constant 1 : index
    %get3A_20 = arith.constant 0 : index
    %get3A_21 = arith.constant 0 : index
    %get3A_22 = vector.load %arg2[%get3A_19, %get3A_20, %get3A_21] : memref<2x576x128xf32, #tpu.memory_space<vmem>>, vector<1x576x128xf32>
    %get3A_23 = vector.shape_cast %get3A_22 : vector<1x576x128xf32> to vector<576x128xf32>
    %add3A_24 = arith.addf %get3A_18, %get3A_23 : vector<576x128xf32>
    %mul3A = arith.mulf %div3A_13, %div3A_13 : vector<576xf32>
    %broadcast_in_dim3A = vector.shape_cast %mul3A : vector<576xf32> to vector<576x1xf32>
    %mul3A_25 = vector.broadcast %broadcast_in_dim3A : vector<576x1xf32> to vector<576x128xf32>
    %mul3A_26 = arith.mulf %add3A_24, %mul3A_25 : vector<576x128xf32>
    %swap3A = arith.constant 0 : index
    %swap3A_27 = arith.constant 0 : index
    %swap3A_28 = vector.load %arg3[%swap3A, %swap3A_27] : memref<576x128xf32, #tpu.memory_space<vmem>>, vector<576x128xf32>
    tpu.vector_store %arg3[%swap3A, %swap3A_27], %mul3A_26 {strides = array<i32>} : memref<576x128xf32, #tpu.memory_space<vmem>>, vector<576x128xf32>,
    %mul3A_29 = arith.constant 5.000000e-01 : f32
    %mul3A_30 = vector.broadcast %mul3A_29 : f32 to vector<576x128xf32>
    %mul3A_31 = arith.mulf %mul3A_30, %mul3A_26 : vector<576x128xf32>
    %swap3A_32 = arith.constant 0 : index
    %swap3A_33 = arith.constant 0 : index
    %swap3A_34 = vector.load %arg4[%swap3A_32, %swap3A_33] : memref<576x128xf32, #tpu.memory_space<vmem>>, vector<576x128xf32>
    tpu.vector_store %arg4[%swap3A_32, %swap3A_33], %mul3A_31 {strides = array<i32>} : memref<576x128xf32, #tpu.memory_space<vmem>>, vector<576x128xf32>,
    return
  }
  func.func @transform_0(%arg0: i32) -> (i32, i32, i32) {
    %c0_i32 = arith.constant 0 : i32
    %c0_i32_0 = arith.constant 0 : i32
    %c0_i32_1 = arith.constant 0 : i32
    return %c0_i32, %arg0, %c0_i32_0 : i32, i32, i32
  }
  func.func @transform_1(%arg0: i32) -> (i32, i32, i32) {
    %c0_i32 = arith.constant 0 : i32
    %c0_i32_0 = arith.constant 0 : i32
    %c0_i32_1 = arith.constant 0 : i32
    return %c0_i32, %arg0, %c0_i32_0 : i32, i32, i32
  }
  func.func @transform_2(%arg0: i32) -> (i32, i32) {
    %c0_i32 = arith.constant 0 : i32
    %c0_i32_0 = arith.constant 0 : i32
    return %arg0, %c0_i32 : i32, i32
  }
  func.func @transform_3(%arg0: i32) -> (i32, i32) {
    %c0_i32 = arith.constant 0 : i32
    %c0_i32_0 = arith.constant 0 : i32
    return %arg0, %c0_i32 : i32, i32
  }
}

module attributes {stable_mosaic.version = 14 : i64} {
  func.func @_final_body(%arg0: i32, %arg1: memref<2x400x128xf32, #tpu.memory_space<vmem>>, %arg2: memref<2x400x128xf32, #tpu.memory_space<vmem>>, %arg3: memref<128x128xf32, #tpu.memory_space<vmem>>, %arg4: memref<1x128xf32, #tpu.memory_space<vmem>>, %arg5: memref<400x128xf32, #tpu.memory_space<vmem>>) attributes {dimension_semantics = [#tpu.dimension_semantics<arbitrary>], iteration_bounds = array<i64: 25>, scalar_prefetch = 0 : i64, scratch_operands = 0 : i64, tpu.core_type = #tpu.core_type<tc>, window_params = [{transform_indices = @transform_0, window_bounds = array<i64: 2, 400, 128>}, {transform_indices = @transform_1, window_bounds = array<i64: 2, 400, 128>}, {pipeline_mode = #tpu.pipeline_mode<synchronous>, transform_indices = @transform_2, window_bounds = array<i64: 128, 128>}, {pipeline_mode = #tpu.pipeline_mode<synchronous>, transform_indices = @transform_3, window_bounds = array<i64: 1, 128>}, {transform_indices = @transform_4, window_bounds = array<i64: 400, 128>}]} {
    %get3A = arith.constant 0 : index
    %get3A_0 = arith.constant 0 : index
    %get3A_1 = arith.constant 0 : index
    %get3A_2 = vector.load %arg1[%get3A, %get3A_0, %get3A_1] : memref<2x400x128xf32, #tpu.memory_space<vmem>>, vector<1x400x1xf32>
    %get3A_3 = vector.shape_cast %get3A_2 : vector<1x400x1xf32> to vector<400xf32>
    %get3A_4 = arith.constant 1 : index
    %get3A_5 = arith.constant 0 : index
    %get3A_6 = arith.constant 0 : index
    %get3A_7 = vector.load %arg1[%get3A_4, %get3A_5, %get3A_6] : memref<2x400x128xf32, #tpu.memory_space<vmem>>, vector<1x400x1xf32>
    %get3A_8 = vector.shape_cast %get3A_7 : vector<1x400x1xf32> to vector<400xf32>
    %add3A = arith.addf %get3A_3, %get3A_8 : vector<400xf32>
    %add3A_9 = arith.constant 1.000000e+00 : f32
    %add3A_10 = vector.broadcast %add3A_9 : f32 to vector<400xf32>
    %add3A_11 = arith.addf %add3A, %add3A_10 : vector<400xf32>
    %sqrt3A = math.sqrt %add3A_11 : vector<400xf32>
    %div3A = arith.constant 1.000000e+00 : f32
    %div3A_12 = vector.broadcast %div3A : f32 to vector<400xf32>
    %div3A_13 = arith.divf %div3A_12, %sqrt3A : vector<400xf32>
    %get3A_14 = arith.constant 0 : index
    %get3A_15 = arith.constant 0 : index
    %get3A_16 = arith.constant 0 : index
    %get3A_17 = vector.load %arg2[%get3A_14, %get3A_15, %get3A_16] : memref<2x400x128xf32, #tpu.memory_space<vmem>>, vector<1x400x128xf32>
    %get3A_18 = vector.shape_cast %get3A_17 : vector<1x400x128xf32> to vector<400x128xf32>
    %get3A_19 = arith.constant 1 : index
    %get3A_20 = arith.constant 0 : index
    %get3A_21 = arith.constant 0 : index
    %get3A_22 = vector.load %arg2[%get3A_19, %get3A_20, %get3A_21] : memref<2x400x128xf32, #tpu.memory_space<vmem>>, vector<1x400x128xf32>
    %get3A_23 = vector.shape_cast %get3A_22 : vector<1x400x128xf32> to vector<400x128xf32>
    %add3A_24 = arith.addf %get3A_18, %get3A_23 : vector<400x128xf32>
    %broadcast_in_dim3A = vector.shape_cast %div3A_13 : vector<400xf32> to vector<400x1xf32>
    %mul3A = vector.broadcast %broadcast_in_dim3A : vector<400x1xf32> to vector<400x128xf32>
    %mul3A_25 = arith.mulf %add3A_24, %mul3A : vector<400x128xf32>
    %get3A_26 = arith.constant 0 : index
    %get3A_27 = arith.constant 0 : index
    %get3A_28 = vector.load %arg3[%get3A_26, %get3A_27] : memref<128x128xf32, #tpu.memory_space<vmem>>, vector<128x128xf32>
    %dot_general3A = arith.constant dense<0.000000e+00> : vector<400x128xf32>
    %dot_general3A_29 = tpu.matmul %mul3A_25, %get3A_28, %dot_general3A {dimension_numbers = #tpu.dot_dimension_numbers<[1], [0], [0], [1], [0, 0, 1, 1], [], []>, transpose_lhs_hint = false} : vector<400x128xf32>, vector<128x128xf32>, vector<400x128xf32> -> vector<400x128xf32>
    %get3A_30 = arith.constant 0 : index
    %get3A_31 = arith.constant 0 : index
    %get3A_32 = vector.load %arg4[%get3A_30, %get3A_31] : memref<1x128xf32, #tpu.memory_space<vmem>>, vector<1x128xf32>
    %add3A_33 = vector.broadcast %get3A_32 : vector<1x128xf32> to vector<400x128xf32>
    %add3A_34 = arith.addf %dot_general3A_29, %add3A_33 : vector<400x128xf32>
    %reduce_max3A = arith.constant dense<0xFF800000> : vector<400xf32>
    %reduce_max3A_35 = vector.multi_reduction <maximumf>, %add3A_34, %reduce_max3A [1] : vector<400x128xf32> to vector<400xf32>
    %broadcast_in_dim3A_36 = vector.shape_cast %reduce_max3A_35 : vector<400xf32> to vector<400x1xf32>
    %sub3A = vector.broadcast %broadcast_in_dim3A_36 : vector<400x1xf32> to vector<400x128xf32>
    %sub3A_37 = arith.subf %add3A_34, %sub3A : vector<400x128xf32>
    %exp3A = math.exp %sub3A_37 : vector<400x128xf32>
    %reduce_sum3A = arith.constant dense<0.000000e+00> : vector<400xf32>
    %reduce_sum3A_38 = vector.multi_reduction <add>, %exp3A, %reduce_sum3A [1] : vector<400x128xf32> to vector<400xf32>
    %broadcast_in_dim3A_39 = vector.shape_cast %reduce_sum3A_38 : vector<400xf32> to vector<400x1xf32>
    %log3A = math.log %broadcast_in_dim3A_39 : vector<400x1xf32>
    %sub3A_40 = vector.broadcast %log3A : vector<400x1xf32> to vector<400x128xf32>
    %sub3A_41 = arith.subf %sub3A_37, %sub3A_40 : vector<400x128xf32>
    %swap3A = arith.constant 0 : index
    %swap3A_42 = arith.constant 0 : index
    %swap3A_43 = vector.load %arg5[%swap3A, %swap3A_42] : memref<400x128xf32, #tpu.memory_space<vmem>>, vector<400x128xf32>
    tpu.vector_store %arg5[%swap3A, %swap3A_42], %sub3A_41 {strides = array<i32>} : memref<400x128xf32, #tpu.memory_space<vmem>>, vector<400x128xf32>,
    return
  }
  func.func @transform_0(%arg0: i32) -> (i32, i32, i32) {
    %c0_i32 = arith.constant 0 : i32
    %c0_i32_0 = arith.constant 0 : i32
    %c0_i32_1 = arith.constant 0 : i32
    return %c0_i32, %arg0, %c0_i32_0 : i32, i32, i32
  }
  func.func @transform_1(%arg0: i32) -> (i32, i32, i32) {
    %c0_i32 = arith.constant 0 : i32
    %c0_i32_0 = arith.constant 0 : i32
    %c0_i32_1 = arith.constant 0 : i32
    return %c0_i32, %arg0, %c0_i32_0 : i32, i32, i32
  }
  func.func @transform_2(%arg0: i32) -> (i32, i32) {
    %c0_i32 = arith.constant 0 : i32
    %c0_i32_0 = arith.constant 0 : i32
    %c0_i32_1 = arith.constant 0 : i32
    return %c0_i32, %c0_i32_0 : i32, i32
  }
  func.func @transform_3(%arg0: i32) -> (i32, i32) {
    %c0_i32 = arith.constant 0 : i32
    %c0_i32_0 = arith.constant 0 : i32
    %c0_i32_1 = arith.constant 0 : i32
    return %c0_i32, %c0_i32_0 : i32, i32
  }
  func.func @transform_4(%arg0: i32) -> (i32, i32) {
    %c0_i32 = arith.constant 0 : i32
    %c0_i32_0 = arith.constant 0 : i32
    return %arg0, %c0_i32 : i32, i32
  }
}

</mosaic_0001>

<sc_bundles>
// kernel: kernel.11.cloned.1.call-start
scs
__scs_entry_jumppad:
0x0: {  	(pc) =	sbr.rel $0x88, $3  }
0x1: {  	(tag) =	ssettag $0x0;
	lr =	simm.s32 $0x1  }
0x2: {  	[smem:$0x3F9D] =	sst lr;
	_ =	strace $0xD0000000  }
0x3: {  	_ = 	snop  }
0x4: {  	_ = 	snop  }
0x5: {  	_ = 	snop  }
0x6: {  	_ = 	snop  }
0x7: {  	_ = 	snop  }
__scs_overlays_trampoline_lowered:
0x8: {  	[smem:$0x3FAC] =	sst s0  }
0x9: {  	[smem:$0x3FAD] =	sst s1  }
0xa: {  	[smem:$0x3FAE] =	sst s2  }
0xb: {  	[smem:$0x3FAF] =	sst s3  }
0xc: {  	[smem:$0x3FB0] =	sst s4  }
0xd: {  	[smem:$0x3FB1] =	sst s5  }
0xe: {  	[smem:$0x3FB2] =	sst s6  }
0xf: {  	[smem:$0x3FB3] =	sst s7  }
0x10: {  	[smem:$0x3FB4] =	sst s8  }
0x11: {  	[smem:$0x3FB5] =	sst s9;
	s0 =	simm.s32 @!p0 $0x0  }
0x12: {  	s1 =	sld [smem:$0x3F9B];
	s0 =	simm.s32 @p0 $0x1  }
0x13: {  	[smem:$0x3FB6] =	sst s0;
	s0 =	simm.s32 @!p1 $0x0  }
0x14: {  	s2 =	sld [smem:$0x3F9A];
	s0 =	simm.s32 @p1 $0x1  }
0x15: {  	[smem:$0x3FB7] =	sst s0;
	s0 =	simm.s32 @!p2 $0x0  }
0x16: {  	s3 =	sld [smem:$0x3FDB];
	s0 =	simm.s32 @p2 $0x1  }
0x17: {  	s4 =	simm.s32 $0x1BF5;
	[smem:$0x3FB9] =	sst s0  }
0x18: {  	s0 =	sld [smem:$0x3F9C];
	_ =	swait.ge [sflag:s4], $0x0  }
0x19: {  	s7 =	sld [smem:$0x3F9D]  }
0x1a: {  	s8 =	sadd.s32 $0xFFFFE003, lr  }
0x1b: {  	s9 =	sadd.s32 $0xFFFFFEF7, lr;
	s5 =	simm.s32 $0xFFFFFFFF;
	p2 =	slt.u32 s8, $0xFFFFF086  }
0x1c: {  	p1 =	slt.u32 s9, $0xF7A;
	s5 =	simm.s32 @!p2 $0x0  }
0x1d: {  	s5 =	simm.s32 @p1 $0x1;
	p0 =	seq.s32 s7, s2  }
0x1e: {  	s7 =	smul.u32 @!p0 $0xF7A, s2;
	p2 =	seq.s32 @!p0 s5, $0x0  }
0x1f: {  	s9 =	smul.u32 $0xF7A, s1;
	s8 =	simm.s32 @!p0 $0x1BF5;
	p2 =	por !p2, p0  }
0x20: {  	[sflag:s8] =	ssyncset.s32 @!p0 $0xFFFFF086;
	s6 =	sadd.s32 @!p0 s3, s7;
	s7 =	simm.s32 @!p0 $0x108  }
0x21: {  	s3 =	sadd.s32 s3, s9;
	s6 =	sadd.s32 @!p0 $0x88, s6;
	s7 =	simm.s32 @p2 $0x1082  }
0x22: {  	[simem:s7], [sflag:s8] =	dma.local @!p0 [hbm:s6], $0xF7A  }
0x23: {  	s9 =	sor.u32 $0xD0000000, s2;
	s6 =	simm.s32 $0x108;
	_ =	swait.ge @!p0 [sflag:s8], $0x0  }
0x24: {  	s3 =	sadd.s32 $0x88, s3;
	s6 =	simm.s32 @!p1 $0x1082;
	[sflag:s4] =	ssyncset.s32 $0xFFFFF086  }
0x25: {  	[simem:s6], [sflag:s4] =	dma.local [hbm:s3], $0xF7A  }
0x26: {  	[smem:$0x3F9D] =	sst s1;
	(tag) =	ssettag s2;
	_ =	strace s9  }
0x27: {  	s1 =	sld [smem:$0x3FAD]  }
0x28: {  	s2 =	sld [smem:$0x3FAE]  }
0x29: {  	s4 =	sld [smem:$0x3FB0]  }
0x2a: {  	p0 =	seq.s32 s5, $0x0;
	s5 =	sld [smem:$0x3FB1]  }
0x2b: {  	s6 =	sld [smem:$0x3FB2]  }
0x2c: {  	s7 =	sld [smem:$0x3FB3]  }
0x2d: {  	s3 =	simm.s32 $0x108;
	s8 =	sld [smem:$0x3FB4]  }
0x2e: {  	s3 =	simm.s32 @!p0 $0x1082;
	s9 =	sld [smem:$0x3FB5]  }
0x2f: {  	lr =	sadd.s32 s0, s3;
	s0 =	sld [smem:$0x3FAC]  }
0x30: {  	s3 =	sld [smem:$0x3FAF]  }
0x31: {  	[smem:$0x3FB8] =	sst s10  }
0x32: {  	s10 =	sld [smem:$0x3FB6];
	_ =	sdelay $0x3  }
0x33: {  	p0 =	seq.s32 s10, $0x1;
	s10 =	sld [smem:$0x3FB8];
	_ =	sdelay $0x3  }
0x34: {  	[smem:$0x3FB8] =	sst s10  }
0x35: {  	s10 =	sld [smem:$0x3FB7];
	_ =	sdelay $0x3  }
0x36: {  	p1 =	seq.s32 s10, $0x1;
	s10 =	sld [smem:$0x3FB8];
	_ =	sdelay $0x3  }
0x37: {  	[smem:$0x3FB8] =	sst s10  }
0x38: {  	s10 =	sld [smem:$0x3FB9]  }
0x39: {  	_ = 	snop;
	(pc) =	sbr.ind lr, $3  }
0x3a: {  	_ = 	snop  }
0x3b: {  	_ = 	snop  }
0x3c: {  	p2 =	seq.s32 s10, $0x1;
	s10 =	sld [smem:$0x3FB8]  }
0x3d: {  	_ =	shalt  }
0x3e: {  	_ =	shalt  }
0x3f: {  	_ =	shalt  }
0x40: {  	_ =	shalt  }
0x41: {  	_ =	shalt  }
0x42: {  	_ =	shalt  }
0x43: {  	_ =	shalt  }
0x44: {  	_ =	shalt  }
0x45: {  	_ =	shalt  }
0x46: {  	_ =	shalt  }
0x47: {  	_ =	shalt  }
0x48: {  	_ =	shalt  }
0x49: {  	_ =	shalt  }
0x4a: {  	_ =	shalt  }
0x4b: {  	_ =	shalt  }
0x4c: {  	_ =	shalt  }
0x4d: {  	_ =	shalt  }
0x4e: {  	_ =	shalt  }
0x4f: {  	_ =	shalt  }
0x50: {  	_ =	shalt  }
0x51: {  	_ =	shalt  }
0x52: {  	_ =	shalt  }
0x53: {  	_ =	shalt  }
0x54: {  	_ =	shalt  }
0x55: {  	_ =	shalt  }
0x56: {  	_ =	shalt  }
0x57: {  	_ =	shalt  }
0x58: {  	_ =	shalt  }
0x59: {  	_ =	shalt  }
0x5a: {  	_ =	shalt  }
0x5b: {  	_ =	shalt  }
0x5c: {  	_ =	shalt  }
0x5d: {  	_ =	shalt  }
0x5e: {  	_ =	shalt  }
0x5f: {  	_ =	shalt  }
0x60: {  	_ =	shalt  }
0x61: {  	_ =	shalt  }
0x62: {  	_ =	shalt  }
0x63: {  	_ =	shalt  }
0x64: {  	_ =	shalt  }
0x65: {  	_ =	shalt  }
0x66: {  	_ =	shalt  }
0x67: {  	_ =	shalt  }
0x68: {  	_ =	shalt  }
0x69: {  	_ =	shalt  }
0x6a: {  	_ =	shalt  }
0x6b: {  	_ =	shalt  }
0x6c: {  	_ =	shalt  }
0x6d: {  	_ =	shalt  }
0x6e: {  	_ =	shalt  }
0x6f: {  	_ =	shalt  }
0x70: {  	_ =	shalt  }
0x71: {  	_ =	shalt  }
0x72: {  	_ =	shalt  }
0x73: {  	_ =	shalt  }
0x74: {  	_ =	shalt  }
0x75: {  	_ =	shalt  }
0x76: {  	_ =	shalt  }
0x77: {  	_ =	shalt  }
0x78: {  	_ =	shalt  }
0x79: {  	_ =	shalt  }
0x7a: {  	_ =	shalt  }
0x7b: {  	_ =	shalt  }
0x7c: {  	_ =	shalt  }
0x7d: {  	_ =	shalt  }
0x7e: {  	_ =	shalt  }
0x7f: {  	_ =	shalt  }
0x80: {  	_ =	shalt  }
0x81: {  	_ =	shalt  }
0x82: {  	_ =	shalt  }
0x83: {  	_ =	shalt  }
0x84: {  	_ =	shalt  }
0x85: {  	_ =	shalt  }
0x86: {  	_ =	shalt  }
0x87: {  	_ =	shalt  }
.Lfunc_end0:
.L_simem_size_0:
called_computation.1_lowered:
.L_overlay_start_0:
0x88: {  	s2 =	sld [smem:$0x3FD9]  }
0x89: {  	s3 =	sld [smem:$0x3FFE];
	_ =	sdelay $0x1  }
0x8a: {  	s1 =	srdreg.scid  }
0x8b: {  	s0 =	sand.u32 $0x1, s1  }
0x8c: {  	s17 =	sshll.u32 s0, $0xA;
	s2 =	sadd.s32 s3, s2  }
0x8d: {  	s2 =	sadd.s32 s2, s17  }
0x8e: {  	[smem:$0x3FC4] =	sst s2  }
0x8f: {  	_ = 	snop  }
0x90: {  	s2 =	sld [smem:$0x3FD0];
	(tm) =	ssettm $0x1  }
0x91: {  	s18 =	sld [smem:$0x3FFB];
	_ =	sdelay $0x3  }
0x92: {  	_ =	strace s18  }
0x93: {  	s3 =	sld [smem:$0x3FFC];
	_ =	sdelay $0x3  }
0x94: {  	_ =	strace s3  }
0x95: {  	s3 =	sld [smem:$0x3FFD];
	_ =	sdelay $0x3  }
0x96: {  	_ =	strace s3  }
0x97: {  	_ =	strace $0x8FFFFFFF  }
0x98: {  	s19 =	sld [smem:$0x3FDB];
	_ =	sdelay $0x1  }
0x99: {  	s4 =	simm.s32 $_scs_section_size  }
0x9a: {  	s5 =	simm.s32 $_size__tile_overlayer_lowered;
	s6 =	simm.s32 $_tile_overlayer_lowered  }
0x9b: {  	s22 =	simm.s32 $0x1BFF;
	s21 =	sshll.u32 s6, $0x1;
	s3 =	sadd.s32 s4, s19  }
0x9c: {  	s7 =	simm.s32 $0x0;
	s20 =	sshll.u32 s5, $0x1;
	s5 =	sadd.s32 s21, s3  }
0x9d: {  	[timem:s7], [sflag:s22] =	dma.local [hbm:s5], s20  }
0x9e: {  	_ =	swait.ge [sflag:s22], s20  }
0x9f: {  	s4 =	ssub.s32 $0x0, s20;
	[sflag:s22] =	ssyncset.done $0x0  }
0xa0: {  	[sflag:s22] =	ssyncadd.s32 s4;
	_ =	sdelay $0x1  }
0xa1: {  	s23 =	simm.s32 $0x1B8B  }
0xa2: {  	_ =	swait.ge [sflag:s23], $0x1  }
0xa3: {  	[sflag:s23] =	ssyncset.done $0x0  }
0xa4: {  	s25 =	simm.s32 $0x1B8E;
	s24 =	sld [smem:$0x3FFE];
	[sflag:s23] =	ssyncadd.s32 $0xFFFFFFFF  }
0xa5: {  	s26 =	simm.s32 $execute0_lowered;
	[smem:$0x3FD2] =	sst s25  }
0xa6: {  	s5 =	sshll.u32 s26, $0x1;
	_ =	strace $0x80000049;
	[dreg:$0x1] =	wrdreg $0xFFFFFFFF  }
0xa7: {  	s28 =	simm.s32 $_size_execute0_lowered;
	s3 =	sadd.s32 s3, s5;
	[dreg:$0x0] =	wrdreg $0x0  }
0xa8: {  	s5 =	sshll.u32 s28, $0x1;
	[dreg:$0x2] =	wrdreg s3  }
0xa9: {  	[dreg:$0x3] =	wrdreg s5  }
0xaa: {  	[dreg:$0x4] =	wrdreg $0xC0  }
0xab: {  	_ =	task [dreg:s7], $0x5FFFF  }
0xac: {  	[dreg:$0x1] =	wrdreg $0xFFFFFFFF  }
0xad: {  	[dreg:$0x0] =	wrdreg $0x60  }
0xae: {  	[dreg:$0x2] =	wrdreg s24  }
0xaf: {  	[dreg:$0x3] =	wrdreg s2  }
0xb0: {  	[dreg:$0x4] =	wrdreg $0x0  }
0xb1: {  	[dreg:$0x5] =	wrdreg $0x9  }
0xb2: {  	_ =	task.clear_ibuf [dreg:s7], $0x6FFFF;
	_ =	strace $0x90000049  }
0xb3: {  	s29 =	simm.s32 $0x9;
	_ =	strace $0x8000004B  }
0xb4: {  	_ =	swait.ge [sflag:s29], $0x1  }
0xb5: {  	[sflag:s29] =	ssyncadd.s32 $0xFFFFFFFF  }
0xb6: {  	_ =	strace $0x9000004B  }
0xb7: {  	_ =	sfence  }
0xb8: {  	s30 =	sld [smem:$0x0];
	_ =	sdelay $0x2  }
0xb9: {  	s31 =	sshll.u32 s1, $0xD;
	s1 =	sshrl.u32 s1, $0x2  }
0xba: {  	s3 =	sand.u32 $0x4000, s31;
	s1 =	sadd.s32 s1, s30  }
0xbb: {  	s0 =	sor.u32 s3, s0;
	s1 =	sshll.u32 s1, $0x11  }
0xbc: {  	s0 =	sor.u32 s1, s0  }
0xbd: {  	s0 =	sadd.s32 $0x8F2B, s0  }
0xbe: {  	[sflag:s0] =	ssyncadd.remote.s32 $0x1  }
0xbf: {  	_ =	sfence.sel $0xFFFF  }
0xc0: {  	[dreg:$0x0] =	wrdreg $0xFFFFFFFF;
	(pc) =	sbr.abs _section_cstart, $3  }
0xc1: {  	[dreg:$0x1] =	wrdreg $0xFFFFFFFF  }
0xc2: {  	_ =	task.clear_ibuf [dreg:s7], $0x2FFFF;
	_ =	strace $0x9FFFFFFF  }
0xc3: {  	(tm) =	ssettm $0x7FFFFFFF  }
tec
execute0_lowered:
.L_overlay_start_1:
0x0: {  	(tag) =	ssettag $0x1  }
0x1: {  	s5 =	rddreg [dreg:$0x0]  }
0x2: {  	s10 =	rddreg [dreg:$0x1]  }
0x3: {  	s2 =	rddreg [dreg:$0x2]  }
0x4: {  	s0 =	rddreg [dreg:$0x3]  }
0x5: {  	s1 =	stileid.u32;
	s3 =	simm.s32 $0x0;
	s4 =	srdreg.scid  }
0x6: {  	s16 =	simm.s32 $0x15000;
	s17 =	simm.s32 $0x80;
	s18 =	simm.s32 $0x16400  }
0x7: {  	s19 =	simm.s32 $0x1A400;
	s20 =	simm.s32 $0x1;
	s21 =	simm.s32 $0x2  }
0x8: {  	s22 =	simm.s32 $0x14F80;
	s23 =	simm.s32 $0x16300;
	s24 =	simm.s32 $0x16380  }
0x9: {  	s25 =	simm.s32 $0x0;
	s6 =	smul.u32 $0x13C00, s1;
	[smem:$0x7FF] =	sst s3  }
0xa: {  	s7 =	sand.u32 $0x1, s4;
	s4 =	sadd.s32 $0x16C00, s5;
	s11 =	sadd.s32 $0xCC00, s5  }
0xb: {  	s29 =	smul.u32 $0x4F000, s1;
	s30 =	sshll.u32 s1, $0x6;
	_ =	strace $0x8000004A  }
0xc: {  	s9 =	smul.u32 $0x144000, s7;
	s12 =	sshll.u32 s7, $0x4;
	s7 =	ssub.s32 $0x2, s7  }
0xd: {  	s8 =	sshrl.u32 s6, $0x3;
	s12 =	sor.u32 s1, s12;
	s13 =	sshrl.u32 s7, $0x1  }
0xe: {  	s8 =	sadd.s32 s8, s5;
	s6 =	sadd.s32 s6, s9;
	s12 =	smul.u32 $0x2800, s12  }
0xf: {  	s9 =	sshrl.u32 s29, $0x2;
	s13 =	ssub.s32 s7, s13;
	s6 =	sshrl.u32 s6, $0x3  }
0x10: {  	s15 =	sadd.s32 s9, s2;
	s14 =	sadd.s32 s6, s5;
	s31 =	sshrl.u32 s12, $0x3  }
0x11: {  	s5 =	sadd.s32 $0x90C00, s8;
	s6 =	sor.u32 $0x1C03, s30;
	s12 =	sadd.s32 $0x280, s31  }
0x12: {  	s7 =	sadd.s32 s11, s31;
	s8 =	sadd.s32 s10, s31;
	s9 =	sadd.s32 s11, s12  }
0x13: {  	s10 =	sadd.s32 s10, s12;
	s11 =	sadd.s32 $0xB9400, s14;
	s12 =	smax.u32 s13, $0x1  }
0x14: {  	s13 =	sshrl.u32 s15, $0x3;
	s14 =	simm.s32 $0x3;
	s15 =	simm.s32 $0x13C00  }
.LBB2_1:
0x15: {  	[spmem:s13], [sflag:s6] =	dma.local [hbm:s5], $0x2780  }
0x16: {  	_ =	swait.ge [sflag:s14], $0x2780  }
0x17: {  	[sflag:s14] =	ssyncset.done $0x0  }
0x18: {  	[sflag:s14] =	ssyncadd.s32 $0xFFFFD880  }
0x19: {  	[bflag:$0x0] =	sbarrier.arrive $0xFFFF  }
0x1a: {  	[tilespmem:s15], [sflag:$0x3] =	stream.linear.gather [hbm4b:s7+s3], $0x1400, $0x38;
	[tilespmem:$0x1E400] =	vst v63  }
0x1b: {  	_ =	swait.ge [sflag:s14], $0x1400  }
0x1c: {  	[sflag:s14] =	ssyncset.done $0x0  }
0x1d: {  	[sflag:s14] =	ssyncadd.s32 $0xFFFFEC00  }
0x1e: {  	[tilespmem:s16], [sflag:$0x3] =	stream.linear.gather [hbm4b:s8+s3], $0x1400, $0x38;
	[tilespmem:$0x1E400] =	vst v63  }
0x1f: {  	_ =	swait.ge [sflag:s14], $0x1400  }
0x20: {  	[sflag:s14] =	ssyncset.done $0x0  }
0x21: {  	[sflag:s14] =	ssyncadd.s32 $0xFFFFEC00  }
0x22: {  	[tilespmem:s18], [sflag:$0x1] =	stream.indirect.gather [hbm4b:s4+s17], $0x80, s15, s17, $0xb8;
	[tilespmem:$0x1E400] =	vst v63  }
0x23: {  	s26 =	simm.s32 $0x13C80  }
0x24: {  	[tilespmem:s19], [sflag:$0x2] =	stream.indirect.gather [hbm4b:s4+s17], $0x80, s26, s17, $0xb8;
	[tilespmem:$0x1E400] =	vst v63  }
0x25: {  	_ =	swait.ge [sflag:s20], $0x4000  }
0x26: {  	[sflag:s20] =	ssyncset.done $0x0  }
0x27: {  	s29 =	simm.s32 $0x15000;
	[sflag:s20] =	ssyncadd.s32 $0xFFFFC000  }
0x28: {  	[spmem:s2] =	stream.indirect.scatter.add.f32 [tilespmem:s18], [sflag:$0x3], $0x80, s29, s17, $0xb8;
	[tilespmem:$0x1E400] =	vst v63  }
0x29: {  	_ =	swait.ge [sflag:s14], $0x4000  }
0x2a: {  	[sflag:s14] =	ssyncset.done $0x0  }
0x2b: {  	s30 =	simm.s32 $0x13D00;
	[sflag:s14] =	ssyncadd.s32 $0xFFFFC000  }
0x2c: {  	[tilespmem:s18], [sflag:$0x1] =	stream.indirect.gather [hbm4b:s4+s17], $0x80, s30, s17, $0xb8;
	[tilespmem:$0x1E400] =	vst v63  }
0x2d: {  	_ =	swait.ge [sflag:s21], $0x4000  }
0x2e: {  	[sflag:s21] =	ssyncset.done $0x0  }
0x2f: {  	s31 =	simm.s32 $0x15080;
	[sflag:s21] =	ssyncadd.s32 $0xFFFFC000  }
0x30: {  	[spmem:s2] =	stream.indirect.scatter.add.f32 [tilespmem:s19], [sflag:$0x3], $0x80, s31, s17, $0xb8;
	[tilespmem:$0x1E400] =	vst v63  }
0x31: {  	_ =	swait.ge [sflag:s14], $0x4000  }
0x32: {  	s28 =	simm.s32 $0x800;
	s26 =	simm.s32 $0x100;
	[sflag:s14] =	ssyncset.done $0x0  }
.LBB2_2:
0x33: {  	s29 =	sadd.s32 $0x13C80, s26  }
0x34: {  	[sflag:s14] =	ssyncadd.s32 $0xFFFFC000;
	s30 =	smov.u32 s28;
	s31 =	sadd.s32 $0x400, s28  }
0x35: {  	[tilespmem:s19], [sflag:$0x2] =	stream.indirect.gather [hbm4b:s4+s17], $0x80, s29, s17, $0xb8;
	[tilespmem:$0x1E400] =	vst v63  }
0x36: {  	p0 =	sne.s32 s28, $0x4800;
	_ =	swait.ge [sflag:s20], $0x4000  }
0x37: {  	[sflag:s20] =	ssyncset.done $0x0  }
0x38: {  	s28 =	sadd.s32 $0x15000, s26;
	[sflag:s20] =	ssyncadd.s32 $0xFFFFC000  }
0x39: {  	[spmem:s2] =	stream.indirect.scatter.add.f32 [tilespmem:s18], [sflag:$0x3], $0x80, s28, s17, $0xb8;
	[tilespmem:$0x1E400] =	vst v63  }
0x3a: {  	_ =	swait.ge [sflag:s14], $0x4000  }
0x3b: {  	[sflag:s14] =	ssyncset.done $0x0  }
0x3c: {  	s28 =	sadd.s32 $0x13D00, s26;
	[sflag:s14] =	ssyncadd.s32 $0xFFFFC000  }
0x3d: {  	[tilespmem:s18], [sflag:$0x1] =	stream.indirect.gather [hbm4b:s4+s17], $0x80, s28, s17, $0xb8;
	[tilespmem:$0x1E400] =	vst v63  }
0x3e: {  	_ =	swait.ge [sflag:s21], $0x4000  }
.Ltmp0:
0x3f: {  	[sflag:s21] =	ssyncset.done $0x0;
	(pc) =	sbr.rel @p0 .LBB2_2-.Ltmp0, $4  }
0x40: {  	s26 =	sadd.s32 $0x15080, s26;
	[sflag:s21] =	ssyncadd.s32 $0xFFFFC000  }
0x41: {  	[spmem:s2] =	stream.indirect.scatter.add.f32 [tilespmem:s19], [sflag:$0x3], $0x80, s26, s17, $0xb8;
	[tilespmem:$0x1E400] =	vst v63  }
0x42: {  	_ =	swait.ge [sflag:s14], $0x4000  }
0x43: {  	s28 =	smov.u32 s31;
	s26 =	sshra.s32 s30, $0x2;
	[sflag:s14] =	ssyncset.done $0x0  }
0x44: {  	s28 =	sadd.s32 $0x13C80, s26;
	[sflag:s14] =	ssyncadd.s32 $0xFFFFC000  }
0x45: {  	[tilespmem:s19], [sflag:$0x2] =	stream.indirect.gather [hbm4b:s4+s17], $0x80, s28, s17, $0xb8;
	[tilespmem:$0x1E400] =	vst v63  }
0x46: {  	_ =	swait.ge [sflag:s20], $0x4000  }
0x47: {  	[sflag:s20] =	ssyncset.done $0x0  }
0x48: {  	s28 =	sadd.s32 $0x15000, s26;
	[sflag:s20] =	ssyncadd.s32 $0xFFFFC000  }
0x49: {  	[spmem:s2] =	stream.indirect.scatter.add.f32 [tilespmem:s18], [sflag:$0x3], $0x80, s28, s17, $0xb8;
	[tilespmem:$0x1E400] =	vst v63  }
0x4a: {  	_ =	swait.ge [sflag:s14], $0x4000  }
0x4b: {  	[sflag:s14] =	ssyncset.done $0x0  }
0x4c: {  	s28 =	sadd.s32 $0x13D00, s26;
	[sflag:s14] =	ssyncadd.s32 $0xFFFFC000  }
0x4d: {  	[tilespmem:s18], [sflag:$0x1] =	stream.indirect.gather [hbm4b:s4+s17], $0x80, s28, s17, $0xb8;
	[tilespmem:$0x1E400] =	vst v63  }
0x4e: {  	_ =	swait.ge [sflag:s21], $0x4000  }
0x4f: {  	[sflag:s21] =	ssyncset.done $0x0  }
0x50: {  	s29 =	sadd.s32 $0x15080, s26;
	[sflag:s21] =	ssyncadd.s32 $0xFFFFC000  }
0x51: {  	[spmem:s2] =	stream.indirect.scatter.add.f32 [tilespmem:s19], [sflag:$0x3], $0x80, s29, s17, $0xb8;
	[tilespmem:$0x1E400] =	vst v63  }
0x52: {  	_ =	swait.ge [sflag:s14], $0x4000  }
0x53: {  	[sflag:s14] =	ssyncset.done $0x0  }
0x54: {  	[sflag:s14] =	ssyncadd.s32 $0xFFFFC000  }
0x55: {  	[tilespmem:s19], [sflag:$0x2] =	stream.indirect.gather [hbm4b:s4+s17], $0x80, s22, s17, $0xb8;
	[tilespmem:$0x1E400] =	vst v63  }
0x56: {  	_ =	swait.ge [sflag:s20], $0x4000  }
0x57: {  	[sflag:s20] =	ssyncset.done $0x0  }
0x58: {  	[sflag:s20] =	ssyncadd.s32 $0xFFFFC000  }
0x59: {  	[spmem:s2] =	stream.indirect.scatter.add.f32 [tilespmem:s18], [sflag:$0x3], $0x80, s23, s17, $0xb8;
	[tilespmem:$0x1E400] =	vst v63  }
0x5a: {  	_ =	swait.ge [sflag:s14], $0x4000  }
0x5b: {  	[sflag:s14] =	ssyncset.done $0x0  }
0x5c: {  	[sflag:s14] =	ssyncadd.s32 $0xFFFFC000  }
0x5d: {  	_ =	swait.ge [sflag:s21], $0x4000  }
0x5e: {  	[sflag:s21] =	ssyncset.done $0x0  }
0x5f: {  	[sflag:s21] =	ssyncadd.s32 $0xFFFFC000  }
0x60: {  	[spmem:s2] =	stream.indirect.scatter.add.f32 [tilespmem:s19], [sflag:$0x3], $0x80, s24, s17, $0xb8;
	[tilespmem:$0x1E400] =	vst v63  }
0x61: {  	_ =	swait.ge [sflag:s14], $0x4000  }
0x62: {  	[sflag:s14] =	ssyncset.done $0x0  }
0x63: {  	s30 =	simm.s32 $0x0;
	[sflag:s14] =	ssyncadd.s32 $0xFFFFC000  }
0x64: {  	[tilespmem:s15], [sflag:$0x3] =	stream.linear.gather [hbm4b:s9+s30], $0x1400, $0x38;
	[tilespmem:$0x1E400] =	vst v63  }
0x65: {  	_ =	swait.ge [sflag:s14], $0x1400  }
0x66: {  	[sflag:s14] =	ssyncset.done $0x0  }
0x67: {  	[sflag:s14] =	ssyncadd.s32 $0xFFFFEC00  }
0x68: {  	[tilespmem:s16], [sflag:$0x3] =	stream.linear.gather [hbm4b:s10+s30], $0x1400, $0x38;
	[tilespmem:$0x1E400] =	vst v63  }
0x69: {  	_ =	swait.ge [sflag:s14], $0x1400  }
0x6a: {  	[sflag:s14] =	ssyncset.done $0x0  }
0x6b: {  	[sflag:s14] =	ssyncadd.s32 $0xFFFFEC00  }
0x6c: {  	[tilespmem:s18], [sflag:$0x1] =	stream.indirect.gather [hbm4b:s4+s17], $0x80, s15, s17, $0xb8;
	[tilespmem:$0x1E400] =	vst v63  }
0x6d: {  	s31 =	simm.s32 $0x13C80  }
0x6e: {  	[tilespmem:s19], [sflag:$0x2] =	stream.indirect.gather [hbm4b:s4+s17], $0x80, s31, s17, $0xb8;
	[tilespmem:$0x1E400] =	vst v63  }
0x6f: {  	_ =	swait.ge [sflag:s20], $0x4000  }
0x70: {  	[sflag:s20] =	ssyncset.done $0x0  }
0x71: {  	s29 =	simm.s32 $0x15000;
	[sflag:s20] =	ssyncadd.s32 $0xFFFFC000  }
0x72: {  	[spmem:s2] =	stream.indirect.scatter.add.f32 [tilespmem:s18], [sflag:$0x3], $0x80, s29, s17, $0xb8;
	[tilespmem:$0x1E400] =	vst v63  }
0x73: {  	_ =	swait.ge [sflag:s14], $0x4000  }
0x74: {  	[sflag:s14] =	ssyncset.done $0x0  }
0x75: {  	s30 =	simm.s32 $0x13D00;
	[sflag:s14] =	ssyncadd.s32 $0xFFFFC000  }
0x76: {  	[tilespmem:s18], [sflag:$0x1] =	stream.indirect.gather [hbm4b:s4+s17], $0x80, s30, s17, $0xb8;
	[tilespmem:$0x1E400] =	vst v63  }
0x77: {  	_ =	swait.ge [sflag:s21], $0x4000  }
0x78: {  	[sflag:s21] =	ssyncset.done $0x0  }
0x79: {  	s31 =	simm.s32 $0x15080;
	[sflag:s21] =	ssyncadd.s32 $0xFFFFC000  }
0x7a: {  	[spmem:s2] =	stream.indirect.scatter.add.f32 [tilespmem:s19], [sflag:$0x3], $0x80, s31, s17, $0xb8;
	[tilespmem:$0x1E400] =	vst v63  }
0x7b: {  	_ =	swait.ge [sflag:s14], $0x4000  }
0x7c: {  	s26 =	simm.s32 $0x100;
	s28 =	simm.s32 $0x800;
	[sflag:s14] =	ssyncset.done $0x0  }
.LBB2_4:
0x7d: {  	s29 =	sadd.s32 $0x13C80, s26  }
0x7e: {  	[sflag:s14] =	ssyncadd.s32 $0xFFFFC000;
	s30 =	smov.u32 s28;
	s31 =	sadd.s32 $0x400, s28  }
0x7f: {  	[tilespmem:s19], [sflag:$0x2] =	stream.indirect.gather [hbm4b:s4+s17], $0x80, s29, s17, $0xb8;
	[tilespmem:$0x1E400] =	vst v63  }
0x80: {  	p0 =	sne.s32 s28, $0x4800;
	_ =	swait.ge [sflag:s20], $0x4000  }
0x81: {  	[sflag:s20] =	ssyncset.done $0x0  }
0x82: {  	s28 =	sadd.s32 $0x15000, s26;
	[sflag:s20] =	ssyncadd.s32 $0xFFFFC000  }
0x83: {  	[spmem:s2] =	stream.indirect.scatter.add.f32 [tilespmem:s18], [sflag:$0x3], $0x80, s28, s17, $0xb8;
	[tilespmem:$0x1E400] =	vst v63  }
0x84: {  	_ =	swait.ge [sflag:s14], $0x4000  }
0x85: {  	[sflag:s14] =	ssyncset.done $0x0  }
0x86: {  	s28 =	sadd.s32 $0x13D00, s26;
	[sflag:s14] =	ssyncadd.s32 $0xFFFFC000  }
0x87: {  	[tilespmem:s18], [sflag:$0x1] =	stream.indirect.gather [hbm4b:s4+s17], $0x80, s28, s17, $0xb8;
	[tilespmem:$0x1E400] =	vst v63  }
0x88: {  	_ =	swait.ge [sflag:s21], $0x4000  }
.Ltmp1:
0x89: {  	[sflag:s21] =	ssyncset.done $0x0;
	(pc) =	sbr.rel @p0 .LBB2_4-.Ltmp1, $4  }
0x8a: {  	s26 =	sadd.s32 $0x15080, s26;
	[sflag:s21] =	ssyncadd.s32 $0xFFFFC000  }
0x8b: {  	[spmem:s2] =	stream.indirect.scatter.add.f32 [tilespmem:s19], [sflag:$0x3], $0x80, s26, s17, $0xb8;
	[tilespmem:$0x1E400] =	vst v63  }
0x8c: {  	_ =	swait.ge [sflag:s14], $0x4000  }
0x8d: {  	s28 =	smov.u32 s31;
	s26 =	sshra.s32 s30, $0x2;
	[sflag:s14] =	ssyncset.done $0x0  }
0x8e: {  	s28 =	sadd.s32 $0x13C80, s26;
	[sflag:s14] =	ssyncadd.s32 $0xFFFFC000  }
0x8f: {  	[tilespmem:s19], [sflag:$0x2] =	stream.indirect.gather [hbm4b:s4+s17], $0x80, s28, s17, $0xb8;
	[tilespmem:$0x1E400] =	vst v63  }
0x90: {  	_ =	swait.ge [sflag:s20], $0x4000  }
0x91: {  	[sflag:s20] =	ssyncset.done $0x0  }
0x92: {  	s29 =	sadd.s32 $0x15000, s26;
	[sflag:s20] =	ssyncadd.s32 $0xFFFFC000  }
0x93: {  	[spmem:s2] =	stream.indirect.scatter.add.f32 [tilespmem:s18], [sflag:$0x3], $0x80, s29, s17, $0xb8;
	[tilespmem:$0x1E400] =	vst v63  }
0x94: {  	_ =	swait.ge [sflag:s14], $0x4000  }
0x95: {  	[sflag:s14] =	ssyncset.done $0x0  }
0x96: {  	s30 =	sadd.s32 $0x13D00, s26;
	[sflag:s14] =	ssyncadd.s32 $0xFFFFC000  }
0x97: {  	[tilespmem:s18], [sflag:$0x1] =	stream.indirect.gather [hbm4b:s4+s17], $0x80, s30, s17, $0xb8;
	[tilespmem:$0x1E400] =	vst v63  }
0x98: {  	_ =	swait.ge [sflag:s21], $0x4000  }
0x99: {  	[sflag:s21] =	ssyncset.done $0x0  }
0x9a: {  	s31 =	sadd.s32 $0x15080, s26;
	[sflag:s21] =	ssyncadd.s32 $0xFFFFC000  }
0x9b: {  	[spmem:s2] =	stream.indirect.scatter.add.f32 [tilespmem:s19], [sflag:$0x3], $0x80, s31, s17, $0xb8;
	[tilespmem:$0x1E400] =	vst v63  }
0x9c: {  	_ =	swait.ge [sflag:s14], $0x4000  }
0x9d: {  	[sflag:s14] =	ssyncset.done $0x0  }
0x9e: {  	[sflag:s14] =	ssyncadd.s32 $0xFFFFC000  }
0x9f: {  	[tilespmem:s19], [sflag:$0x2] =	stream.indirect.gather [hbm4b:s4+s17], $0x80, s22, s17, $0xb8;
	[tilespmem:$0x1E400] =	vst v63  }
0xa0: {  	_ =	swait.ge [sflag:s20], $0x4000  }
0xa1: {  	[sflag:s20] =	ssyncset.done $0x0  }
0xa2: {  	[sflag:s20] =	ssyncadd.s32 $0xFFFFC000  }
0xa3: {  	[spmem:s2] =	stream.indirect.scatter.add.f32 [tilespmem:s18], [sflag:$0x3], $0x80, s23, s17, $0xb8;
	[tilespmem:$0x1E400] =	vst v63  }
0xa4: {  	_ =	swait.ge [sflag:s14], $0x4000  }
0xa5: {  	[sflag:s14] =	ssyncset.done $0x0  }
0xa6: {  	[sflag:s14] =	ssyncadd.s32 $0xFFFFC000  }
0xa7: {  	_ =	swait.ge [sflag:s21], $0x4000  }
0xa8: {  	[sflag:s21] =	ssyncset.done $0x0  }
0xa9: {  	[sflag:s21] =	ssyncadd.s32 $0xFFFFC000  }
0xaa: {  	[spmem:s2] =	stream.indirect.scatter.add.f32 [tilespmem:s19], [sflag:$0x3], $0x80, s24, s17, $0xb8;
	[tilespmem:$0x1E400] =	vst v63  }
0xab: {  	_ =	swait.ge [sflag:s14], $0x4000  }
0xac: {  	s25 =	sadd.s32 $0x1, s25;
	[sflag:s14] =	ssyncset.done $0x0  }
0xad: {  	p0 =	sne.s32 s25, s12;
	[sflag:s14] =	ssyncadd.s32 $0xFFFFC000  }
.Ltmp2:
0xae: {  	[bflag:$0x0] =	sbarrier.arrive $0xFFFF;
	(pc) =	sbr.rel @p0 .LBB2_1-.Ltmp2, $4  }
0xaf: {  	[hbm:s11], [sflag:s6] =	dma.local [spmem:s13], $0x2780  }
0xb0: {  	_ =	swait.ge [sflag:s14], $0x2780  }
0xb1: {  	[sflag:s14] =	ssyncset.done $0x0  }
0xb2: {  	[sflag:s14] =	ssyncadd.s32 $0xFFFFD880  }
0xb3: {  	_ =	sfence.sel $0x180000  }
0xb4: {  	[bflag:$0x0] =	sbarrier.arrive $0xFFFF  }
0xb5: {  	p0 =	sne.s32 s1, $0x0;
	_ =	strace $0x9000004A  }
0xb6: {  	s0 =	sadd.s32 @!p0 $0x100000, s0;
	[bflag:$0x2] =	sbarrier.arrive $0xFFFF  }
0xb7: {  	[sflag:s0] =	ssyncadd.tile.s32 @!p0 $0x1;
	_ =	shalt  }
.Lfunc_end2:
_tile_overlayer_lowered:
.L_overlay_start_2:
0xb8: {  	(tag) =	ssettag $0x2  }
0xb9: {  	s0 =	rddreg [dreg:$0x0];
	s2 =	stileid.u32  }
0xba: {  	s1 =	rddreg [dreg:$0x1];
	p0 =	sne.s32 s2, $0x0  }
0xbb: {  	s3 =	rddreg [dreg:$0x2];
	[bflag:$0x3] =	sbarrier.arrive $0xFFFF;
	s2 =	simm.s32 @!p0 $0x1C03  }
0xbc: {  	[timem:s3], [sflag:s2] =	dma.local @!p0 [hbm:s0], s1  }
0xbd: {  	s0 =	simm.s32 @!p0 $0x3  }
0xbe: {  	_ =	swait.ge @!p0 [sflag:s0], s1  }
0xbf: {  	s1 =	ssub.s32 @!p0 $0x0, s1;
	[sflag:s0] =	ssyncset.done @!p0 $0x0  }
0xc0: {  	[sflag:s0] =	ssyncadd.s32 @!p0 s1  }
0xc1: {  	[bflag:$0x3] =	sbarrier.arrive $0xFFFF  }
0xc2: {  	_ =	shalt  }

// kernel: kernel.14.cloned.1.call-start
scs
__scs_entry_jumppad:
0x0: {  	(pc) =	sbr.rel $0x88, $3  }
0x1: {  	(tag) =	ssettag $0x0;
	lr =	simm.s32 $0x1  }
0x2: {  	[smem:$0x3F9D] =	sst lr;
	_ =	strace $0xD0000000  }
0x3: {  	_ = 	snop  }
0x4: {  	_ = 	snop  }
0x5: {  	_ = 	snop  }
0x6: {  	_ = 	snop  }
0x7: {  	_ = 	snop  }
__scs_overlays_trampoline_lowered:
0x8: {  	[smem:$0x3FAC] =	sst s0  }
0x9: {  	[smem:$0x3FAD] =	sst s1  }
0xa: {  	[smem:$0x3FAE] =	sst s2  }
0xb: {  	[smem:$0x3FAF] =	sst s3  }
0xc: {  	[smem:$0x3FB0] =	sst s4  }
0xd: {  	[smem:$0x3FB1] =	sst s5  }
0xe: {  	[smem:$0x3FB2] =	sst s6  }
0xf: {  	[smem:$0x3FB3] =	sst s7  }
0x10: {  	[smem:$0x3FB4] =	sst s8  }
0x11: {  	[smem:$0x3FB5] =	sst s9;
	s0 =	simm.s32 @!p0 $0x0  }
0x12: {  	s1 =	sld [smem:$0x3F9B];
	s0 =	simm.s32 @p0 $0x1  }
0x13: {  	[smem:$0x3FB6] =	sst s0;
	s0 =	simm.s32 @!p1 $0x0  }
0x14: {  	s2 =	sld [smem:$0x3F9A];
	s0 =	simm.s32 @p1 $0x1  }
0x15: {  	[smem:$0x3FB7] =	sst s0;
	s0 =	simm.s32 @!p2 $0x0  }
0x16: {  	s3 =	sld [smem:$0x3FDB];
	s0 =	simm.s32 @p2 $0x1  }
0x17: {  	s4 =	simm.s32 $0x1BF5;
	[smem:$0x3FB9] =	sst s0  }
0x18: {  	s0 =	sld [smem:$0x3F9C];
	_ =	swait.ge [sflag:s4], $0x0  }
0x19: {  	s7 =	sld [smem:$0x3F9D]  }
0x1a: {  	s8 =	sadd.s32 $0xFFFFE003, lr  }
0x1b: {  	s9 =	sadd.s32 $0xFFFFFEF7, lr;
	s5 =	simm.s32 $0xFFFFFFFF;
	p2 =	slt.u32 s8, $0xFFFFF086  }
0x1c: {  	p1 =	slt.u32 s9, $0xF7A;
	s5 =	simm.s32 @!p2 $0x0  }
0x1d: {  	s5 =	simm.s32 @p1 $0x1;
	p0 =	seq.s32 s7, s2  }
0x1e: {  	s7 =	smul.u32 @!p0 $0xF7A, s2;
	p2 =	seq.s32 @!p0 s5, $0x0  }
0x1f: {  	s9 =	smul.u32 $0xF7A, s1;
	s8 =	simm.s32 @!p0 $0x1BF5;
	p2 =	por !p2, p0  }
0x20: {  	[sflag:s8] =	ssyncset.s32 @!p0 $0xFFFFF086;
	s6 =	sadd.s32 @!p0 s3, s7;
	s7 =	simm.s32 @!p0 $0x108  }
0x21: {  	s3 =	sadd.s32 s3, s9;
	s6 =	sadd.s32 @!p0 $0x88, s6;
	s7 =	simm.s32 @p2 $0x1082  }
0x22: {  	[simem:s7], [sflag:s8] =	dma.local @!p0 [hbm:s6], $0xF7A  }
0x23: {  	s9 =	sor.u32 $0xD0000000, s2;
	s6 =	simm.s32 $0x108;
	_ =	swait.ge @!p0 [sflag:s8], $0x0  }
0x24: {  	s3 =	sadd.s32 $0x88, s3;
	s6 =	simm.s32 @!p1 $0x1082;
	[sflag:s4] =	ssyncset.s32 $0xFFFFF086  }
0x25: {  	[simem:s6], [sflag:s4] =	dma.local [hbm:s3], $0xF7A  }
0x26: {  	[smem:$0x3F9D] =	sst s1;
	(tag) =	ssettag s2;
	_ =	strace s9  }
0x27: {  	s1 =	sld [smem:$0x3FAD]  }
0x28: {  	s2 =	sld [smem:$0x3FAE]  }
0x29: {  	s4 =	sld [smem:$0x3FB0]  }
0x2a: {  	p0 =	seq.s32 s5, $0x0;
	s5 =	sld [smem:$0x3FB1]  }
0x2b: {  	s6 =	sld [smem:$0x3FB2]  }
0x2c: {  	s7 =	sld [smem:$0x3FB3]  }
0x2d: {  	s3 =	simm.s32 $0x108;
	s8 =	sld [smem:$0x3FB4]  }
0x2e: {  	s3 =	simm.s32 @!p0 $0x1082;
	s9 =	sld [smem:$0x3FB5]  }
0x2f: {  	lr =	sadd.s32 s0, s3;
	s0 =	sld [smem:$0x3FAC]  }
0x30: {  	s3 =	sld [smem:$0x3FAF]  }
0x31: {  	[smem:$0x3FB8] =	sst s10  }
0x32: {  	s10 =	sld [smem:$0x3FB6];
	_ =	sdelay $0x3  }
0x33: {  	p0 =	seq.s32 s10, $0x1;
	s10 =	sld [smem:$0x3FB8];
	_ =	sdelay $0x3  }
0x34: {  	[smem:$0x3FB8] =	sst s10  }
0x35: {  	s10 =	sld [smem:$0x3FB7];
	_ =	sdelay $0x3  }
0x36: {  	p1 =	seq.s32 s10, $0x1;
	s10 =	sld [smem:$0x3FB8];
	_ =	sdelay $0x3  }
0x37: {  	[smem:$0x3FB8] =	sst s10  }
0x38: {  	s10 =	sld [smem:$0x3FB9]  }
0x39: {  	_ = 	snop;
	(pc) =	sbr.ind lr, $3  }
0x3a: {  	_ = 	snop  }
0x3b: {  	_ = 	snop  }
0x3c: {  	p2 =	seq.s32 s10, $0x1;
	s10 =	sld [smem:$0x3FB8]  }
0x3d: {  	_ =	shalt  }
0x3e: {  	_ =	shalt  }
0x3f: {  	_ =	shalt  }
0x40: {  	_ =	shalt  }
0x41: {  	_ =	shalt  }
0x42: {  	_ =	shalt  }
0x43: {  	_ =	shalt  }
0x44: {  	_ =	shalt  }
0x45: {  	_ =	shalt  }
0x46: {  	_ =	shalt  }
0x47: {  	_ =	shalt  }
0x48: {  	_ =	shalt  }
0x49: {  	_ =	shalt  }
0x4a: {  	_ =	shalt  }
0x4b: {  	_ =	shalt  }
0x4c: {  	_ =	shalt  }
0x4d: {  	_ =	shalt  }
0x4e: {  	_ =	shalt  }
0x4f: {  	_ =	shalt  }
0x50: {  	_ =	shalt  }
0x51: {  	_ =	shalt  }
0x52: {  	_ =	shalt  }
0x53: {  	_ =	shalt  }
0x54: {  	_ =	shalt  }
0x55: {  	_ =	shalt  }
0x56: {  	_ =	shalt  }
0x57: {  	_ =	shalt  }
0x58: {  	_ =	shalt  }
0x59: {  	_ =	shalt  }
0x5a: {  	_ =	shalt  }
0x5b: {  	_ =	shalt  }
0x5c: {  	_ =	shalt  }
0x5d: {  	_ =	shalt  }
0x5e: {  	_ =	shalt  }
0x5f: {  	_ =	shalt  }
0x60: {  	_ =	shalt  }
0x61: {  	_ =	shalt  }
0x62: {  	_ =	shalt  }
0x63: {  	_ =	shalt  }
0x64: {  	_ =	shalt  }
0x65: {  	_ =	shalt  }
0x66: {  	_ =	shalt  }
0x67: {  	_ =	shalt  }
0x68: {  	_ =	shalt  }
0x69: {  	_ =	shalt  }
0x6a: {  	_ =	shalt  }
0x6b: {  	_ =	shalt  }
0x6c: {  	_ =	shalt  }
0x6d: {  	_ =	shalt  }
0x6e: {  	_ =	shalt  }
0x6f: {  	_ =	shalt  }
0x70: {  	_ =	shalt  }
0x71: {  	_ =	shalt  }
0x72: {  	_ =	shalt  }
0x73: {  	_ =	shalt  }
0x74: {  	_ =	shalt  }
0x75: {  	_ =	shalt  }
0x76: {  	_ =	shalt  }
0x77: {  	_ =	shalt  }
0x78: {  	_ =	shalt  }
0x79: {  	_ =	shalt  }
0x7a: {  	_ =	shalt  }
0x7b: {  	_ =	shalt  }
0x7c: {  	_ =	shalt  }
0x7d: {  	_ =	shalt  }
0x7e: {  	_ =	shalt  }
0x7f: {  	_ =	shalt  }
0x80: {  	_ =	shalt  }
0x81: {  	_ =	shalt  }
0x82: {  	_ =	shalt  }
0x83: {  	_ =	shalt  }
0x84: {  	_ =	shalt  }
0x85: {  	_ =	shalt  }
0x86: {  	_ =	shalt  }
0x87: {  	_ =	shalt  }
.Lfunc_end0:
.L_simem_size_0:
called_computation.2_lowered:
.L_overlay_start_0:
0x88: {  	s2 =	sld [smem:$0x3FD9]  }
0x89: {  	s3 =	sld [smem:$0x3FFE];
	_ =	sdelay $0x1  }
0x8a: {  	s1 =	srdreg.scid  }
0x8b: {  	s0 =	sand.u32 $0x1, s1  }
0x8c: {  	s17 =	sshll.u32 s0, $0xA;
	s2 =	sadd.s32 s3, s2  }
0x8d: {  	s2 =	sadd.s32 s2, s17  }
0x8e: {  	[smem:$0x3FC4] =	sst s2  }
0x8f: {  	_ = 	snop  }
0x90: {  	s2 =	sld [smem:$0x3FD0];
	(tm) =	ssettm $0x1  }
0x91: {  	s18 =	sld [smem:$0x3FFB];
	_ =	sdelay $0x3  }
0x92: {  	_ =	strace s18  }
0x93: {  	s3 =	sld [smem:$0x3FFC];
	_ =	sdelay $0x3  }
0x94: {  	_ =	strace s3  }
0x95: {  	s3 =	sld [smem:$0x3FFD];
	_ =	sdelay $0x3  }
0x96: {  	_ =	strace s3  }
0x97: {  	_ =	strace $0x8FFFFFFF  }
0x98: {  	s19 =	sld [smem:$0x3FDB];
	_ =	sdelay $0x1  }
0x99: {  	s4 =	simm.s32 $_scs_section_size  }
0x9a: {  	s5 =	simm.s32 $_size__tile_overlayer_lowered;
	s6 =	simm.s32 $_tile_overlayer_lowered  }
0x9b: {  	s22 =	simm.s32 $0x1BFF;
	s21 =	sshll.u32 s6, $0x1;
	s3 =	sadd.s32 s4, s19  }
0x9c: {  	s7 =	simm.s32 $0x0;
	s20 =	sshll.u32 s5, $0x1;
	s5 =	sadd.s32 s21, s3  }
0x9d: {  	[timem:s7], [sflag:s22] =	dma.local [hbm:s5], s20  }
0x9e: {  	_ =	swait.ge [sflag:s22], s20  }
0x9f: {  	s4 =	ssub.s32 $0x0, s20;
	[sflag:s22] =	ssyncset.done $0x0  }
0xa0: {  	[sflag:s22] =	ssyncadd.s32 s4;
	_ =	sdelay $0x1  }
0xa1: {  	s23 =	simm.s32 $0x1B8B  }
0xa2: {  	_ =	swait.ge [sflag:s23], $0x1  }
0xa3: {  	[sflag:s23] =	ssyncset.done $0x0  }
0xa4: {  	s25 =	simm.s32 $0x1B8E;
	s24 =	sld [smem:$0x3FFE];
	[sflag:s23] =	ssyncadd.s32 $0xFFFFFFFF  }
0xa5: {  	s26 =	simm.s32 $execute0_lowered;
	[smem:$0x3FD2] =	sst s25  }
0xa6: {  	s5 =	sshll.u32 s26, $0x1;
	_ =	strace $0x8000004C;
	[dreg:$0x1] =	wrdreg $0xFFFFFFFF  }
0xa7: {  	s28 =	simm.s32 $_size_execute0_lowered;
	s3 =	sadd.s32 s3, s5;
	[dreg:$0x0] =	wrdreg $0x0  }
0xa8: {  	s5 =	sshll.u32 s28, $0x1;
	[dreg:$0x2] =	wrdreg s3  }
0xa9: {  	[dreg:$0x3] =	wrdreg s5  }
0xaa: {  	[dreg:$0x4] =	wrdreg $0xC0  }
0xab: {  	_ =	task [dreg:s7], $0x5FFFF  }
0xac: {  	[dreg:$0x1] =	wrdreg $0xFFFFFFFF  }
0xad: {  	[dreg:$0x0] =	wrdreg $0x60  }
0xae: {  	[dreg:$0x2] =	wrdreg s24  }
0xaf: {  	[dreg:$0x3] =	wrdreg s2  }
0xb0: {  	[dreg:$0x4] =	wrdreg $0x0  }
0xb1: {  	[dreg:$0x5] =	wrdreg $0x9  }
0xb2: {  	_ =	task.clear_ibuf [dreg:s7], $0x6FFFF;
	_ =	strace $0x9000004C  }
0xb3: {  	s29 =	simm.s32 $0x9;
	_ =	strace $0x8000004E  }
0xb4: {  	_ =	swait.ge [sflag:s29], $0x1  }
0xb5: {  	[sflag:s29] =	ssyncadd.s32 $0xFFFFFFFF  }
0xb6: {  	_ =	strace $0x9000004E  }
0xb7: {  	_ =	sfence  }
0xb8: {  	s30 =	sld [smem:$0x0];
	_ =	sdelay $0x2  }
0xb9: {  	s31 =	sshll.u32 s1, $0xD;
	s1 =	sshrl.u32 s1, $0x2  }
0xba: {  	s3 =	sand.u32 $0x4000, s31;
	s1 =	sadd.s32 s1, s30  }
0xbb: {  	s0 =	sor.u32 s3, s0;
	s1 =	sshll.u32 s1, $0x11  }
0xbc: {  	s0 =	sor.u32 s1, s0  }
0xbd: {  	s0 =	sadd.s32 $0x8F2B, s0  }
0xbe: {  	[sflag:s0] =	ssyncadd.remote.s32 $0x1  }
0xbf: {  	_ =	sfence.sel $0xFFFF  }
0xc0: {  	[dreg:$0x0] =	wrdreg $0xFFFFFFFF;
	(pc) =	sbr.abs _section_cstart, $3  }
0xc1: {  	[dreg:$0x1] =	wrdreg $0xFFFFFFFF  }
0xc2: {  	_ =	task.clear_ibuf [dreg:s7], $0x2FFFF;
	_ =	strace $0x9FFFFFFF  }
0xc3: {  	(tm) =	ssettm $0x7FFFFFFF  }
tec
execute0_lowered:
.L_overlay_start_1:
0x0: {  	(tag) =	ssettag $0x1  }
0x1: {  	s5 =	rddreg [dreg:$0x0]  }
0x2: {  	s10 =	rddreg [dreg:$0x1]  }
0x3: {  	s2 =	rddreg [dreg:$0x2]  }
0x4: {  	s0 =	rddreg [dreg:$0x3]  }
0x5: {  	s1 =	stileid.u32;
	s3 =	simm.s32 $0x0;
	s4 =	srdreg.scid  }
0x6: {  	s16 =	simm.s32 $0x15000;
	s17 =	simm.s32 $0x80;
	s18 =	simm.s32 $0x16400  }
0x7: {  	s19 =	simm.s32 $0x1A400;
	s20 =	simm.s32 $0x1;
	s21 =	simm.s32 $0x2  }
0x8: {  	s22 =	simm.s32 $0x14F80;
	s23 =	simm.s32 $0x16300;
	s24 =	simm.s32 $0x16380  }
0x9: {  	s25 =	simm.s32 $0x0;
	s6 =	smul.u32 $0x13C00, s1;
	[smem:$0x7FF] =	sst s3  }
0xa: {  	s7 =	sand.u32 $0x1, s4;
	s4 =	sadd.s32 $0x16C00, s5;
	s11 =	sadd.s32 $0xCC00, s5  }
0xb: {  	s29 =	smul.u32 $0x4F000, s1;
	s30 =	sshll.u32 s1, $0x6;
	_ =	strace $0x8000004D  }
0xc: {  	s9 =	smul.u32 $0x144000, s7;
	s12 =	sshll.u32 s7, $0x4;
	s7 =	ssub.s32 $0x2, s7  }
0xd: {  	s8 =	sshrl.u32 s6, $0x3;
	s12 =	sor.u32 s1, s12;
	s13 =	sshrl.u32 s7, $0x1  }
0xe: {  	s8 =	sadd.s32 s8, s5;
	s6 =	sadd.s32 s6, s9;
	s12 =	smul.u32 $0x2800, s12  }
0xf: {  	s9 =	sshrl.u32 s29, $0x2;
	s13 =	ssub.s32 s7, s13;
	s6 =	sshrl.u32 s6, $0x3  }
0x10: {  	s15 =	sadd.s32 s9, s2;
	s14 =	sadd.s32 s6, s5;
	s31 =	sshrl.u32 s12, $0x3  }
0x11: {  	s5 =	sadd.s32 $0x3F400, s8;
	s6 =	sor.u32 $0x1C03, s30;
	s12 =	sadd.s32 $0x280, s31  }
0x12: {  	s7 =	sadd.s32 s11, s31;
	s8 =	sadd.s32 s10, s31;
	s9 =	sadd.s32 s11, s12  }
0x13: {  	s10 =	sadd.s32 s10, s12;
	s11 =	sadd.s32 $0x67C00, s14;
	s12 =	smax.u32 s13, $0x1  }
0x14: {  	s13 =	sshrl.u32 s15, $0x3;
	s14 =	simm.s32 $0x3;
	s15 =	simm.s32 $0x13C00  }
.LBB2_1:
0x15: {  	[spmem:s13], [sflag:s6] =	dma.local [hbm:s5], $0x2780  }
0x16: {  	_ =	swait.ge [sflag:s14], $0x2780  }
0x17: {  	[sflag:s14] =	ssyncset.done $0x0  }
0x18: {  	[sflag:s14] =	ssyncadd.s32 $0xFFFFD880  }
0x19: {  	[bflag:$0x0] =	sbarrier.arrive $0xFFFF  }
0x1a: {  	[tilespmem:s15], [sflag:$0x3] =	stream.linear.gather [hbm4b:s7+s3], $0x1400, $0x38;
	[tilespmem:$0x1E400] =	vst v63  }
0x1b: {  	_ =	swait.ge [sflag:s14], $0x1400  }
0x1c: {  	[sflag:s14] =	ssyncset.done $0x0  }
0x1d: {  	[sflag:s14] =	ssyncadd.s32 $0xFFFFEC00  }
0x1e: {  	[tilespmem:s16], [sflag:$0x3] =	stream.linear.gather [hbm4b:s8+s3], $0x1400, $0x38;
	[tilespmem:$0x1E400] =	vst v63  }
0x1f: {  	_ =	swait.ge [sflag:s14], $0x1400  }
0x20: {  	[sflag:s14] =	ssyncset.done $0x0  }
0x21: {  	[sflag:s14] =	ssyncadd.s32 $0xFFFFEC00  }
0x22: {  	[tilespmem:s18], [sflag:$0x1] =	stream.indirect.gather [hbm4b:s4+s17], $0x80, s15, s17, $0xb8;
	[tilespmem:$0x1E400] =	vst v63  }
0x23: {  	s26 =	simm.s32 $0x13C80  }
0x24: {  	[tilespmem:s19], [sflag:$0x2] =	stream.indirect.gather [hbm4b:s4+s17], $0x80, s26, s17, $0xb8;
	[tilespmem:$0x1E400] =	vst v63  }
0x25: {  	_ =	swait.ge [sflag:s20], $0x4000  }
0x26: {  	[sflag:s20] =	ssyncset.done $0x0  }
0x27: {  	s29 =	simm.s32 $0x15000;
	[sflag:s20] =	ssyncadd.s32 $0xFFFFC000  }
0x28: {  	[spmem:s2] =	stream.indirect.scatter.add.f32 [tilespmem:s18], [sflag:$0x3], $0x80, s29, s17, $0xb8;
	[tilespmem:$0x1E400] =	vst v63  }
0x29: {  	_ =	swait.ge [sflag:s14], $0x4000  }
0x2a: {  	[sflag:s14] =	ssyncset.done $0x0  }
0x2b: {  	s30 =	simm.s32 $0x13D00;
	[sflag:s14] =	ssyncadd.s32 $0xFFFFC000  }
0x2c: {  	[tilespmem:s18], [sflag:$0x1] =	stream.indirect.gather [hbm4b:s4+s17], $0x80, s30, s17, $0xb8;
	[tilespmem:$0x1E400] =	vst v63  }
0x2d: {  	_ =	swait.ge [sflag:s21], $0x4000  }
0x2e: {  	[sflag:s21] =	ssyncset.done $0x0  }
0x2f: {  	s31 =	simm.s32 $0x15080;
	[sflag:s21] =	ssyncadd.s32 $0xFFFFC000  }
0x30: {  	[spmem:s2] =	stream.indirect.scatter.add.f32 [tilespmem:s19], [sflag:$0x3], $0x80, s31, s17, $0xb8;
	[tilespmem:$0x1E400] =	vst v63  }
0x31: {  	_ =	swait.ge [sflag:s14], $0x4000  }
0x32: {  	s28 =	simm.s32 $0x800;
	s26 =	simm.s32 $0x100;
	[sflag:s14] =	ssyncset.done $0x0  }
.LBB2_2:
0x33: {  	s29 =	sadd.s32 $0x13C80, s26  }
0x34: {  	[sflag:s14] =	ssyncadd.s32 $0xFFFFC000;
	s30 =	smov.u32 s28;
	s31 =	sadd.s32 $0x400, s28  }
0x35: {  	[tilespmem:s19], [sflag:$0x2] =	stream.indirect.gather [hbm4b:s4+s17], $0x80, s29, s17, $0xb8;
	[tilespmem:$0x1E400] =	vst v63  }
0x36: {  	p0 =	sne.s32 s28, $0x4800;
	_ =	swait.ge [sflag:s20], $0x4000  }
0x37: {  	[sflag:s20] =	ssyncset.done $0x0  }
0x38: {  	s28 =	sadd.s32 $0x15000, s26;
	[sflag:s20] =	ssyncadd.s32 $0xFFFFC000  }
0x39: {  	[spmem:s2] =	stream.indirect.scatter.add.f32 [tilespmem:s18], [sflag:$0x3], $0x80, s28, s17, $0xb8;
	[tilespmem:$0x1E400] =	vst v63  }
0x3a: {  	_ =	swait.ge [sflag:s14], $0x4000  }
0x3b: {  	[sflag:s14] =	ssyncset.done $0x0  }
0x3c: {  	s28 =	sadd.s32 $0x13D00, s26;
	[sflag:s14] =	ssyncadd.s32 $0xFFFFC000  }
0x3d: {  	[tilespmem:s18], [sflag:$0x1] =	stream.indirect.gather [hbm4b:s4+s17], $0x80, s28, s17, $0xb8;
	[tilespmem:$0x1E400] =	vst v63  }
0x3e: {  	_ =	swait.ge [sflag:s21], $0x4000  }
.Ltmp0:
0x3f: {  	[sflag:s21] =	ssyncset.done $0x0;
	(pc) =	sbr.rel @p0 .LBB2_2-.Ltmp0, $4  }
0x40: {  	s26 =	sadd.s32 $0x15080, s26;
	[sflag:s21] =	ssyncadd.s32 $0xFFFFC000  }
0x41: {  	[spmem:s2] =	stream.indirect.scatter.add.f32 [tilespmem:s19], [sflag:$0x3], $0x80, s26, s17, $0xb8;
	[tilespmem:$0x1E400] =	vst v63  }
0x42: {  	_ =	swait.ge [sflag:s14], $0x4000  }
0x43: {  	s28 =	smov.u32 s31;
	s26 =	sshra.s32 s30, $0x2;
	[sflag:s14] =	ssyncset.done $0x0  }
0x44: {  	s28 =	sadd.s32 $0x13C80, s26;
	[sflag:s14] =	ssyncadd.s32 $0xFFFFC000  }
0x45: {  	[tilespmem:s19], [sflag:$0x2] =	stream.indirect.gather [hbm4b:s4+s17], $0x80, s28, s17, $0xb8;
	[tilespmem:$0x1E400] =	vst v63  }
0x46: {  	_ =	swait.ge [sflag:s20], $0x4000  }
0x47: {  	[sflag:s20] =	ssyncset.done $0x0  }
0x48: {  	s28 =	sadd.s32 $0x15000, s26;
	[sflag:s20] =	ssyncadd.s32 $0xFFFFC000  }
0x49: {  	[spmem:s2] =	stream.indirect.scatter.add.f32 [tilespmem:s18], [sflag:$0x3], $0x80, s28, s17, $0xb8;
	[tilespmem:$0x1E400] =	vst v63  }
0x4a: {  	_ =	swait.ge [sflag:s14], $0x4000  }
0x4b: {  	[sflag:s14] =	ssyncset.done $0x0  }
0x4c: {  	s28 =	sadd.s32 $0x13D00, s26;
	[sflag:s14] =	ssyncadd.s32 $0xFFFFC000  }
0x4d: {  	[tilespmem:s18], [sflag:$0x1] =	stream.indirect.gather [hbm4b:s4+s17], $0x80, s28, s17, $0xb8;
	[tilespmem:$0x1E400] =	vst v63  }
0x4e: {  	_ =	swait.ge [sflag:s21], $0x4000  }
0x4f: {  	[sflag:s21] =	ssyncset.done $0x0  }
0x50: {  	s29 =	sadd.s32 $0x15080, s26;
	[sflag:s21] =	ssyncadd.s32 $0xFFFFC000  }
0x51: {  	[spmem:s2] =	stream.indirect.scatter.add.f32 [tilespmem:s19], [sflag:$0x3], $0x80, s29, s17, $0xb8;
	[tilespmem:$0x1E400] =	vst v63  }
0x52: {  	_ =	swait.ge [sflag:s14], $0x4000  }
0x53: {  	[sflag:s14] =	ssyncset.done $0x0  }
0x54: {  	[sflag:s14] =	ssyncadd.s32 $0xFFFFC000  }
0x55: {  	[tilespmem:s19], [sflag:$0x2] =	stream.indirect.gather [hbm4b:s4+s17], $0x80, s22, s17, $0xb8;
	[tilespmem:$0x1E400] =	vst v63  }
0x56: {  	_ =	swait.ge [sflag:s20], $0x4000  }
0x57: {  	[sflag:s20] =	ssyncset.done $0x0  }
0x58: {  	[sflag:s20] =	ssyncadd.s32 $0xFFFFC000  }
0x59: {  	[spmem:s2] =	stream.indirect.scatter.add.f32 [tilespmem:s18], [sflag:$0x3], $0x80, s23, s17, $0xb8;
	[tilespmem:$0x1E400] =	vst v63  }
0x5a: {  	_ =	swait.ge [sflag:s14], $0x4000  }
0x5b: {  	[sflag:s14] =	ssyncset.done $0x0  }
0x5c: {  	[sflag:s14] =	ssyncadd.s32 $0xFFFFC000  }
0x5d: {  	_ =	swait.ge [sflag:s21], $0x4000  }
0x5e: {  	[sflag:s21] =	ssyncset.done $0x0  }
0x5f: {  	[sflag:s21] =	ssyncadd.s32 $0xFFFFC000  }
0x60: {  	[spmem:s2] =	stream.indirect.scatter.add.f32 [tilespmem:s19], [sflag:$0x3], $0x80, s24, s17, $0xb8;
	[tilespmem:$0x1E400] =	vst v63  }
0x61: {  	_ =	swait.ge [sflag:s14], $0x4000  }
0x62: {  	[sflag:s14] =	ssyncset.done $0x0  }
0x63: {  	s30 =	simm.s32 $0x0;
	[sflag:s14] =	ssyncadd.s32 $0xFFFFC000  }
0x64: {  	[tilespmem:s15], [sflag:$0x3] =	stream.linear.gather [hbm4b:s9+s30], $0x1400, $0x38;
	[tilespmem:$0x1E400] =	vst v63  }
0x65: {  	_ =	swait.ge [sflag:s14], $0x1400  }
0x66: {  	[sflag:s14] =	ssyncset.done $0x0  }
0x67: {  	[sflag:s14] =	ssyncadd.s32 $0xFFFFEC00  }
0x68: {  	[tilespmem:s16], [sflag:$0x3] =	stream.linear.gather [hbm4b:s10+s30], $0x1400, $0x38;
	[tilespmem:$0x1E400] =	vst v63  }
0x69: {  	_ =	swait.ge [sflag:s14], $0x1400  }
0x6a: {  	[sflag:s14] =	ssyncset.done $0x0  }
0x6b: {  	[sflag:s14] =	ssyncadd.s32 $0xFFFFEC00  }
0x6c: {  	[tilespmem:s18], [sflag:$0x1] =	stream.indirect.gather [hbm4b:s4+s17], $0x80, s15, s17, $0xb8;
	[tilespmem:$0x1E400] =	vst v63  }
0x6d: {  	s31 =	simm.s32 $0x13C80  }
0x6e: {  	[tilespmem:s19], [sflag:$0x2] =	stream.indirect.gather [hbm4b:s4+s17], $0x80, s31, s17, $0xb8;
	[tilespmem:$0x1E400] =	vst v63  }
0x6f: {  	_ =	swait.ge [sflag:s20], $0x4000  }
0x70: {  	[sflag:s20] =	ssyncset.done $0x0  }
0x71: {  	s29 =	simm.s32 $0x15000;
	[sflag:s20] =	ssyncadd.s32 $0xFFFFC000  }
0x72: {  	[spmem:s2] =	stream.indirect.scatter.add.f32 [tilespmem:s18], [sflag:$0x3], $0x80, s29, s17, $0xb8;
	[tilespmem:$0x1E400] =	vst v63  }
0x73: {  	_ =	swait.ge [sflag:s14], $0x4000  }
0x74: {  	[sflag:s14] =	ssyncset.done $0x0  }
0x75: {  	s30 =	simm.s32 $0x13D00;
	[sflag:s14] =	ssyncadd.s32 $0xFFFFC000  }
0x76: {  	[tilespmem:s18], [sflag:$0x1] =	stream.indirect.gather [hbm4b:s4+s17], $0x80, s30, s17, $0xb8;
	[tilespmem:$0x1E400] =	vst v63  }
0x77: {  	_ =	swait.ge [sflag:s21], $0x4000  }
0x78: {  	[sflag:s21] =	ssyncset.done $0x0  }
0x79: {  	s31 =	simm.s32 $0x15080;
	[sflag:s21] =	ssyncadd.s32 $0xFFFFC000  }
0x7a: {  	[spmem:s2] =	stream.indirect.scatter.add.f32 [tilespmem:s19], [sflag:$0x3], $0x80, s31, s17, $0xb8;
	[tilespmem:$0x1E400] =	vst v63  }
0x7b: {  	_ =	swait.ge [sflag:s14], $0x4000  }
0x7c: {  	s26 =	simm.s32 $0x100;
	s28 =	simm.s32 $0x800;
	[sflag:s14] =	ssyncset.done $0x0  }
.LBB2_4:
0x7d: {  	s29 =	sadd.s32 $0x13C80, s26  }
0x7e: {  	[sflag:s14] =	ssyncadd.s32 $0xFFFFC000;
	s30 =	smov.u32 s28;
	s31 =	sadd.s32 $0x400, s28  }
0x7f: {  	[tilespmem:s19], [sflag:$0x2] =	stream.indirect.gather [hbm4b:s4+s17], $0x80, s29, s17, $0xb8;
	[tilespmem:$0x1E400] =	vst v63  }
0x80: {  	p0 =	sne.s32 s28, $0x4800;
	_ =	swait.ge [sflag:s20], $0x4000  }
0x81: {  	[sflag:s20] =	ssyncset.done $0x0  }
0x82: {  	s28 =	sadd.s32 $0x15000, s26;
	[sflag:s20] =	ssyncadd.s32 $0xFFFFC000  }
0x83: {  	[spmem:s2] =	stream.indirect.scatter.add.f32 [tilespmem:s18], [sflag:$0x3], $0x80, s28, s17, $0xb8;
	[tilespmem:$0x1E400] =	vst v63  }
0x84: {  	_ =	swait.ge [sflag:s14], $0x4000  }
0x85: {  	[sflag:s14] =	ssyncset.done $0x0  }
0x86: {  	s28 =	sadd.s32 $0x13D00, s26;
	[sflag:s14] =	ssyncadd.s32 $0xFFFFC000  }
0x87: {  	[tilespmem:s18], [sflag:$0x1] =	stream.indirect.gather [hbm4b:s4+s17], $0x80, s28, s17, $0xb8;
	[tilespmem:$0x1E400] =	vst v63  }
0x88: {  	_ =	swait.ge [sflag:s21], $0x4000  }
.Ltmp1:
0x89: {  	[sflag:s21] =	ssyncset.done $0x0;
	(pc) =	sbr.rel @p0 .LBB2_4-.Ltmp1, $4  }
0x8a: {  	s26 =	sadd.s32 $0x15080, s26;
	[sflag:s21] =	ssyncadd.s32 $0xFFFFC000  }
0x8b: {  	[spmem:s2] =	stream.indirect.scatter.add.f32 [tilespmem:s19], [sflag:$0x3], $0x80, s26, s17, $0xb8;
	[tilespmem:$0x1E400] =	vst v63  }
0x8c: {  	_ =	swait.ge [sflag:s14], $0x4000  }
0x8d: {  	s28 =	smov.u32 s31;
	s26 =	sshra.s32 s30, $0x2;
	[sflag:s14] =	ssyncset.done $0x0  }
0x8e: {  	s28 =	sadd.s32 $0x13C80, s26;
	[sflag:s14] =	ssyncadd.s32 $0xFFFFC000  }
0x8f: {  	[tilespmem:s19], [sflag:$0x2] =	stream.indirect.gather [hbm4b:s4+s17], $0x80, s28, s17, $0xb8;
	[tilespmem:$0x1E400] =	vst v63  }
0x90: {  	_ =	swait.ge [sflag:s20], $0x4000  }
0x91: {  	[sflag:s20] =	ssyncset.done $0x0  }
0x92: {  	s29 =	sadd.s32 $0x15000, s26;
	[sflag:s20] =	ssyncadd.s32 $0xFFFFC000  }
0x93: {  	[spmem:s2] =	stream.indirect.scatter.add.f32 [tilespmem:s18], [sflag:$0x3], $0x80, s29, s17, $0xb8;
	[tilespmem:$0x1E400] =	vst v63  }
0x94: {  	_ =	swait.ge [sflag:s14], $0x4000  }
0x95: {  	[sflag:s14] =	ssyncset.done $0x0  }
0x96: {  	s30 =	sadd.s32 $0x13D00, s26;
	[sflag:s14] =	ssyncadd.s32 $0xFFFFC000  }
0x97: {  	[tilespmem:s18], [sflag:$0x1] =	stream.indirect.gather [hbm4b:s4+s17], $0x80, s30, s17, $0xb8;
	[tilespmem:$0x1E400] =	vst v63  }
0x98: {  	_ =	swait.ge [sflag:s21], $0x4000  }
0x99: {  	[sflag:s21] =	ssyncset.done $0x0  }
0x9a: {  	s31 =	sadd.s32 $0x15080, s26;
	[sflag:s21] =	ssyncadd.s32 $0xFFFFC000  }
0x9b: {  	[spmem:s2] =	stream.indirect.scatter.add.f32 [tilespmem:s19], [sflag:$0x3], $0x80, s31, s17, $0xb8;
	[tilespmem:$0x1E400] =	vst v63  }
0x9c: {  	_ =	swait.ge [sflag:s14], $0x4000  }
0x9d: {  	[sflag:s14] =	ssyncset.done $0x0  }
0x9e: {  	[sflag:s14] =	ssyncadd.s32 $0xFFFFC000  }
0x9f: {  	[tilespmem:s19], [sflag:$0x2] =	stream.indirect.gather [hbm4b:s4+s17], $0x80, s22, s17, $0xb8;
	[tilespmem:$0x1E400] =	vst v63  }
0xa0: {  	_ =	swait.ge [sflag:s20], $0x4000  }
0xa1: {  	[sflag:s20] =	ssyncset.done $0x0  }
0xa2: {  	[sflag:s20] =	ssyncadd.s32 $0xFFFFC000  }
0xa3: {  	[spmem:s2] =	stream.indirect.scatter.add.f32 [tilespmem:s18], [sflag:$0x3], $0x80, s23, s17, $0xb8;
	[tilespmem:$0x1E400] =	vst v63  }
0xa4: {  	_ =	swait.ge [sflag:s14], $0x4000  }
0xa5: {  	[sflag:s14] =	ssyncset.done $0x0  }
0xa6: {  	[sflag:s14] =	ssyncadd.s32 $0xFFFFC000  }
0xa7: {  	_ =	swait.ge [sflag:s21], $0x4000  }
0xa8: {  	[sflag:s21] =	ssyncset.done $0x0  }
0xa9: {  	[sflag:s21] =	ssyncadd.s32 $0xFFFFC000  }
0xaa: {  	[spmem:s2] =	stream.indirect.scatter.add.f32 [tilespmem:s19], [sflag:$0x3], $0x80, s24, s17, $0xb8;
	[tilespmem:$0x1E400] =	vst v63  }
0xab: {  	_ =	swait.ge [sflag:s14], $0x4000  }
0xac: {  	s25 =	sadd.s32 $0x1, s25;
	[sflag:s14] =	ssyncset.done $0x0  }
0xad: {  	p0 =	sne.s32 s25, s12;
	[sflag:s14] =	ssyncadd.s32 $0xFFFFC000  }
.Ltmp2:
0xae: {  	[bflag:$0x0] =	sbarrier.arrive $0xFFFF;
	(pc) =	sbr.rel @p0 .LBB2_1-.Ltmp2, $4  }
0xaf: {  	[hbm:s11], [sflag:s6] =	dma.local [spmem:s13], $0x2780  }
0xb0: {  	_ =	swait.ge [sflag:s14], $0x2780  }
0xb1: {  	[sflag:s14] =	ssyncset.done $0x0  }
0xb2: {  	[sflag:s14] =	ssyncadd.s32 $0xFFFFD880  }
0xb3: {  	_ =	sfence.sel $0x180000  }
0xb4: {  	[bflag:$0x0] =	sbarrier.arrive $0xFFFF  }
0xb5: {  	p0 =	sne.s32 s1, $0x0;
	_ =	strace $0x9000004D  }
0xb6: {  	s0 =	sadd.s32 @!p0 $0x100000, s0;
	[bflag:$0x2] =	sbarrier.arrive $0xFFFF  }
0xb7: {  	[sflag:s0] =	ssyncadd.tile.s32 @!p0 $0x1;
	_ =	shalt  }
.Lfunc_end2:
_tile_overlayer_lowered:
.L_overlay_start_2:
0xb8: {  	(tag) =	ssettag $0x2  }
0xb9: {  	s0 =	rddreg [dreg:$0x0];
	s2 =	stileid.u32  }
0xba: {  	s1 =	rddreg [dreg:$0x1];
	p0 =	sne.s32 s2, $0x0  }
0xbb: {  	s3 =	rddreg [dreg:$0x2];
	[bflag:$0x3] =	sbarrier.arrive $0xFFFF;
	s2 =	simm.s32 @!p0 $0x1C03  }
0xbc: {  	[timem:s3], [sflag:s2] =	dma.local @!p0 [hbm:s0], s1  }
0xbd: {  	s0 =	simm.s32 @!p0 $0x3  }
0xbe: {  	_ =	swait.ge @!p0 [sflag:s0], s1  }
0xbf: {  	s1 =	ssub.s32 @!p0 $0x0, s1;
	[sflag:s0] =	ssyncset.done @!p0 $0x0  }
0xc0: {  	[sflag:s0] =	ssyncadd.s32 @!p0 s1  }
0xc1: {  	[bflag:$0x3] =	sbarrier.arrive $0xFFFF  }
0xc2: {  	_ =	shalt  }

// kernel: kernel.8.cloned.1.call-start
scs
__scs_entry_jumppad:
0x0: {  	(pc) =	sbr.rel $0x88, $3  }
0x1: {  	(tag) =	ssettag $0x0;
	lr =	simm.s32 $0x1  }
0x2: {  	[smem:$0x3F9D] =	sst lr;
	_ =	strace $0xD0000000  }
0x3: {  	_ = 	snop  }
0x4: {  	_ = 	snop  }
0x5: {  	_ = 	snop  }
0x6: {  	_ = 	snop  }
0x7: {  	_ = 	snop  }
__scs_overlays_trampoline_lowered:
0x8: {  	[smem:$0x3FAC] =	sst s0  }
0x9: {  	[smem:$0x3FAD] =	sst s1  }
0xa: {  	[smem:$0x3FAE] =	sst s2  }
0xb: {  	[smem:$0x3FAF] =	sst s3  }
0xc: {  	[smem:$0x3FB0] =	sst s4  }
0xd: {  	[smem:$0x3FB1] =	sst s5  }
0xe: {  	[smem:$0x3FB2] =	sst s6  }
0xf: {  	[smem:$0x3FB3] =	sst s7  }
0x10: {  	[smem:$0x3FB4] =	sst s8  }
0x11: {  	[smem:$0x3FB5] =	sst s9;
	s0 =	simm.s32 @!p0 $0x0  }
0x12: {  	s1 =	sld [smem:$0x3F9B];
	s0 =	simm.s32 @p0 $0x1  }
0x13: {  	[smem:$0x3FB6] =	sst s0;
	s0 =	simm.s32 @!p1 $0x0  }
0x14: {  	s2 =	sld [smem:$0x3F9A];
	s0 =	simm.s32 @p1 $0x1  }
0x15: {  	[smem:$0x3FB7] =	sst s0;
	s0 =	simm.s32 @!p2 $0x0  }
0x16: {  	s3 =	sld [smem:$0x3FDB];
	s0 =	simm.s32 @p2 $0x1  }
0x17: {  	s4 =	simm.s32 $0x1BF5;
	[smem:$0x3FB9] =	sst s0  }
0x18: {  	s0 =	sld [smem:$0x3F9C];
	_ =	swait.ge [sflag:s4], $0x0  }
0x19: {  	s7 =	sld [smem:$0x3F9D]  }
0x1a: {  	s8 =	sadd.s32 $0xFFFFE003, lr  }
0x1b: {  	s9 =	sadd.s32 $0xFFFFFEF7, lr;
	s5 =	simm.s32 $0xFFFFFFFF;
	p2 =	slt.u32 s8, $0xFFFFF086  }
0x1c: {  	p1 =	slt.u32 s9, $0xF7A;
	s5 =	simm.s32 @!p2 $0x0  }
0x1d: {  	s5 =	simm.s32 @p1 $0x1;
	p0 =	seq.s32 s7, s2  }
0x1e: {  	s7 =	smul.u32 @!p0 $0xF7A, s2;
	p2 =	seq.s32 @!p0 s5, $0x0  }
0x1f: {  	s9 =	smul.u32 $0xF7A, s1;
	s8 =	simm.s32 @!p0 $0x1BF5;
	p2 =	por !p2, p0  }
0x20: {  	[sflag:s8] =	ssyncset.s32 @!p0 $0xFFFFF086;
	s6 =	sadd.s32 @!p0 s3, s7;
	s7 =	simm.s32 @!p0 $0x108  }
0x21: {  	s3 =	sadd.s32 s3, s9;
	s6 =	sadd.s32 @!p0 $0x88, s6;
	s7 =	simm.s32 @p2 $0x1082  }
0x22: {  	[simem:s7], [sflag:s8] =	dma.local @!p0 [hbm:s6], $0xF7A  }
0x23: {  	s9 =	sor.u32 $0xD0000000, s2;
	s6 =	simm.s32 $0x108;
	_ =	swait.ge @!p0 [sflag:s8], $0x0  }
0x24: {  	s3 =	sadd.s32 $0x88, s3;
	s6 =	simm.s32 @!p1 $0x1082;
	[sflag:s4] =	ssyncset.s32 $0xFFFFF086  }
0x25: {  	[simem:s6], [sflag:s4] =	dma.local [hbm:s3], $0xF7A  }
0x26: {  	[smem:$0x3F9D] =	sst s1;
	(tag) =	ssettag s2;
	_ =	strace s9  }
0x27: {  	s1 =	sld [smem:$0x3FAD]  }
0x28: {  	s2 =	sld [smem:$0x3FAE]  }
0x29: {  	s4 =	sld [smem:$0x3FB0]  }
0x2a: {  	p0 =	seq.s32 s5, $0x0;
	s5 =	sld [smem:$0x3FB1]  }
0x2b: {  	s6 =	sld [smem:$0x3FB2]  }
0x2c: {  	s7 =	sld [smem:$0x3FB3]  }
0x2d: {  	s3 =	simm.s32 $0x108;
	s8 =	sld [smem:$0x3FB4]  }
0x2e: {  	s3 =	simm.s32 @!p0 $0x1082;
	s9 =	sld [smem:$0x3FB5]  }
0x2f: {  	lr =	sadd.s32 s0, s3;
	s0 =	sld [smem:$0x3FAC]  }
0x30: {  	s3 =	sld [smem:$0x3FAF]  }
0x31: {  	[smem:$0x3FB8] =	sst s10  }
0x32: {  	s10 =	sld [smem:$0x3FB6];
	_ =	sdelay $0x3  }
0x33: {  	p0 =	seq.s32 s10, $0x1;
	s10 =	sld [smem:$0x3FB8];
	_ =	sdelay $0x3  }
0x34: {  	[smem:$0x3FB8] =	sst s10  }
0x35: {  	s10 =	sld [smem:$0x3FB7];
	_ =	sdelay $0x3  }
0x36: {  	p1 =	seq.s32 s10, $0x1;
	s10 =	sld [smem:$0x3FB8];
	_ =	sdelay $0x3  }
0x37: {  	[smem:$0x3FB8] =	sst s10  }
0x38: {  	s10 =	sld [smem:$0x3FB9]  }
0x39: {  	_ = 	snop;
	(pc) =	sbr.ind lr, $3  }
0x3a: {  	_ = 	snop  }
0x3b: {  	_ = 	snop  }
0x3c: {  	p2 =	seq.s32 s10, $0x1;
	s10 =	sld [smem:$0x3FB8]  }
0x3d: {  	_ =	shalt  }
0x3e: {  	_ =	shalt  }
0x3f: {  	_ =	shalt  }
0x40: {  	_ =	shalt  }
0x41: {  	_ =	shalt  }
0x42: {  	_ =	shalt  }
0x43: {  	_ =	shalt  }
0x44: {  	_ =	shalt  }
0x45: {  	_ =	shalt  }
0x46: {  	_ =	shalt  }
0x47: {  	_ =	shalt  }
0x48: {  	_ =	shalt  }
0x49: {  	_ =	shalt  }
0x4a: {  	_ =	shalt  }
0x4b: {  	_ =	shalt  }
0x4c: {  	_ =	shalt  }
0x4d: {  	_ =	shalt  }
0x4e: {  	_ =	shalt  }
0x4f: {  	_ =	shalt  }
0x50: {  	_ =	shalt  }
0x51: {  	_ =	shalt  }
0x52: {  	_ =	shalt  }
0x53: {  	_ =	shalt  }
0x54: {  	_ =	shalt  }
0x55: {  	_ =	shalt  }
0x56: {  	_ =	shalt  }
0x57: {  	_ =	shalt  }
0x58: {  	_ =	shalt  }
0x59: {  	_ =	shalt  }
0x5a: {  	_ =	shalt  }
0x5b: {  	_ =	shalt  }
0x5c: {  	_ =	shalt  }
0x5d: {  	_ =	shalt  }
0x5e: {  	_ =	shalt  }
0x5f: {  	_ =	shalt  }
0x60: {  	_ =	shalt  }
0x61: {  	_ =	shalt  }
0x62: {  	_ =	shalt  }
0x63: {  	_ =	shalt  }
0x64: {  	_ =	shalt  }
0x65: {  	_ =	shalt  }
0x66: {  	_ =	shalt  }
0x67: {  	_ =	shalt  }
0x68: {  	_ =	shalt  }
0x69: {  	_ =	shalt  }
0x6a: {  	_ =	shalt  }
0x6b: {  	_ =	shalt  }
0x6c: {  	_ =	shalt  }
0x6d: {  	_ =	shalt  }
0x6e: {  	_ =	shalt  }
0x6f: {  	_ =	shalt  }
0x70: {  	_ =	shalt  }
0x71: {  	_ =	shalt  }
0x72: {  	_ =	shalt  }
0x73: {  	_ =	shalt  }
0x74: {  	_ =	shalt  }
0x75: {  	_ =	shalt  }
0x76: {  	_ =	shalt  }
0x77: {  	_ =	shalt  }
0x78: {  	_ =	shalt  }
0x79: {  	_ =	shalt  }
0x7a: {  	_ =	shalt  }
0x7b: {  	_ =	shalt  }
0x7c: {  	_ =	shalt  }
0x7d: {  	_ =	shalt  }
0x7e: {  	_ =	shalt  }
0x7f: {  	_ =	shalt  }
0x80: {  	_ =	shalt  }
0x81: {  	_ =	shalt  }
0x82: {  	_ =	shalt  }
0x83: {  	_ =	shalt  }
0x84: {  	_ =	shalt  }
0x85: {  	_ =	shalt  }
0x86: {  	_ =	shalt  }
0x87: {  	_ =	shalt  }
.Lfunc_end0:
.L_simem_size_0:
called_computation_lowered:
.L_overlay_start_0:
0x88: {  	s2 =	sld [smem:$0x3FD9]  }
0x89: {  	s3 =	sld [smem:$0x3FFE];
	_ =	sdelay $0x1  }
0x8a: {  	s1 =	srdreg.scid  }
0x8b: {  	s0 =	sand.u32 $0x1, s1  }
0x8c: {  	s16 =	sshll.u32 s0, $0xA;
	s2 =	sadd.s32 s3, s2  }
0x8d: {  	s2 =	sadd.s32 s2, s16  }
0x8e: {  	[smem:$0x3FC4] =	sst s2  }
0x8f: {  	_ = 	snop  }
0x90: {  	(tm) =	ssettm $0x1  }
0x91: {  	s17 =	sld [smem:$0x3FFB];
	_ =	sdelay $0x3  }
0x92: {  	_ =	strace s17  }
0x93: {  	s2 =	sld [smem:$0x3FFC];
	_ =	sdelay $0x3  }
0x94: {  	_ =	strace s2  }
0x95: {  	s2 =	sld [smem:$0x3FFD];
	_ =	sdelay $0x3  }
0x96: {  	_ =	strace s2  }
0x97: {  	_ =	strace $0x8FFFFFFF  }
0x98: {  	s18 =	sld [smem:$0x3FDB];
	_ =	sdelay $0x1  }
0x99: {  	s19 =	simm.s32 $_scs_section_size  }
0x9a: {  	s4 =	simm.s32 $_size__tile_overlayer_lowered;
	s5 =	simm.s32 $_tile_overlayer_lowered  }
0x9b: {  	s22 =	simm.s32 $0x1BFF;
	s21 =	sshll.u32 s5, $0x1;
	s2 =	sadd.s32 s19, s18  }
0x9c: {  	s6 =	simm.s32 $0x0;
	s20 =	sshll.u32 s4, $0x1;
	s4 =	sadd.s32 s21, s2  }
0x9d: {  	[timem:s6], [sflag:s22] =	dma.local [hbm:s4], s20  }
0x9e: {  	_ =	swait.ge [sflag:s22], s20  }
0x9f: {  	s3 =	ssub.s32 $0x0, s20;
	[sflag:s22] =	ssyncset.done $0x0  }
0xa0: {  	[sflag:s22] =	ssyncadd.s32 s3;
	_ =	sdelay $0x1  }
0xa1: {  	s23 =	simm.s32 $0x1B8B  }
0xa2: {  	_ =	swait.ge [sflag:s23], $0x1  }
0xa3: {  	[sflag:s23] =	ssyncset.done $0x0  }
0xa4: {  	s25 =	simm.s32 $0x1B8E;
	s24 =	sld [smem:$0x3FFE];
	[sflag:s23] =	ssyncadd.s32 $0xFFFFFFFF  }
0xa5: {  	s26 =	simm.s32 $execute0_lowered;
	[smem:$0x3FD2] =	sst s25  }
0xa6: {  	s4 =	sshll.u32 s26, $0x1;
	_ =	strace $0x80000046;
	[dreg:$0x1] =	wrdreg $0xFFFFFFFF  }
0xa7: {  	s28 =	simm.s32 $_size_execute0_lowered;
	s2 =	sadd.s32 s2, s4;
	[dreg:$0x0] =	wrdreg $0x0  }
0xa8: {  	s4 =	sshll.u32 s28, $0x1;
	[dreg:$0x2] =	wrdreg s2  }
0xa9: {  	[dreg:$0x3] =	wrdreg s4  }
0xaa: {  	[dreg:$0x4] =	wrdreg $0xC0  }
0xab: {  	_ =	task [dreg:s6], $0x5FFFF  }
0xac: {  	[dreg:$0x1] =	wrdreg $0xFFFFFFFF  }
0xad: {  	[dreg:$0x0] =	wrdreg $0x60  }
0xae: {  	[dreg:$0x2] =	wrdreg s24  }
0xaf: {  	[dreg:$0x3] =	wrdreg $0x0  }
0xb0: {  	[dreg:$0x4] =	wrdreg $0x9  }
0xb1: {  	_ =	task.clear_ibuf [dreg:s6], $0x5FFFF;
	_ =	strace $0x90000046  }
0xb2: {  	s29 =	simm.s32 $0x9;
	_ =	strace $0x80000048  }
0xb3: {  	_ =	swait.ge [sflag:s29], $0x1  }
0xb4: {  	[sflag:s29] =	ssyncadd.s32 $0xFFFFFFFF  }
0xb5: {  	_ =	strace $0x90000048  }
0xb6: {  	_ =	sfence  }
0xb7: {  	s30 =	sld [smem:$0x0];
	_ =	sdelay $0x2  }
0xb8: {  	s31 =	sshll.u32 s1, $0xD;
	s1 =	sshrl.u32 s1, $0x2  }
0xb9: {  	s3 =	sand.u32 $0x4000, s31;
	s1 =	sadd.s32 s1, s30  }
0xba: {  	s0 =	sor.u32 s3, s0;
	s1 =	sshll.u32 s1, $0x11  }
0xbb: {  	s0 =	sor.u32 s1, s0  }
0xbc: {  	s0 =	sadd.s32 $0x8F2B, s0  }
0xbd: {  	[sflag:s0] =	ssyncadd.remote.s32 $0x1  }
0xbe: {  	_ =	sfence.sel $0xFFFF  }
0xbf: {  	[dreg:$0x0] =	wrdreg $0xFFFFFFFF;
	(pc) =	sbr.abs _section_cstart, $3  }
0xc0: {  	[dreg:$0x1] =	wrdreg $0xFFFFFFFF  }
0xc1: {  	_ =	task.clear_ibuf [dreg:s6], $0x2FFFF;
	_ =	strace $0x9FFFFFFF  }
0xc2: {  	(tm) =	ssettm $0x7FFFFFFF  }
0xc3: {  	_ =	shalt  }
tec
execute0_lowered:
.L_overlay_start_1:
0x0: {  	(tag) =	ssettag $0x1  }
0x1: {  	s5 =	rddreg [dreg:$0x0]  }
0x2: {  	s0 =	srdreg.scid;
	s2 =	rddreg [dreg:$0x1]  }
0x3: {  	s3 =	simm.s32 $0x0;
	s4 =	sand.u32 $0x1, s0;
	s0 =	stileid.u32  }
0x4: {  	s11 =	simm.s32 $0x16C00;
	s14 =	simm.s32 $0x80;
	s7 =	smul.u32 $0x14400, s0  }
0x5: {  	s15 =	simm.s32 $0x0;
	[smem:$0x7FF] =	sst s3;
	s8 =	smul.u32 $0x144000, s4  }
0x6: {  	s1 =	sshll.u32 s4, $0x4;
	s29 =	ssub.s32 $0x2, s4;
	s10 =	smul.u32 $0x51000, s0  }
0x7: {  	s4 =	sadd.s32 $0x16C00, s5;
	s12 =	sshll.u32 s0, $0x6;
	s1 =	sor.u32 s0, s1  }
0x8: {  	s30 =	sshrl.u32 s29, $0x1;
	s12 =	sor.u32 $0x1C01, s12;
	s6 =	smul.u32 $0x500, s1  }
0x9: {  	s1 =	rddreg [dreg:$0x2];
	_ =	strace $0x80000047;
	s9 =	sshrl.u32 s7, $0x3  }
0xa: {  	s7 =	sadd.s32 s7, s8;
	s8 =	ssub.s32 s29, s30;
	s31 =	sshrl.u32 s10, $0x2  }
0xb: {  	s10 =	simm.s32 $0x1;
	s9 =	sadd.s32 s9, s5;
	s7 =	sshrl.u32 s7, $0x3  }
0xc: {  	s13 =	sadd.s32 s31, s2;
	s8 =	smax.u32 s8, $0x1;
	s6 =	sadd.s32 s6, s5  }
0xd: {  	s7 =	sadd.s32 s7, s5;
	s13 =	sshrl.u32 s13, $0x3;
	s5 =	sadd.s32 $0x2C00, s6  }
0xe: {  	s6 =	sadd.s32 $0x17400, s9;
	s7 =	sadd.s32 $0x3FC00, s7;
	s9 =	simm.s32 $0x14400  }
.LBB2_1:
0xf: {  	[tilespmem:s9], [sflag:$0x1] =	stream.linear.gather [hbm4b:s5+s3], $0x2800, $0x38;
	[tilespmem:$0x1AC00] =	vst v63  }
0x10: {  	_ =	swait.ge [sflag:s10], $0x2800  }
0x11: {  	[sflag:s10] =	ssyncset.done $0x0  }
0x12: {  	[sflag:s10] =	ssyncadd.s32 $0xFFFFD800  }
0x13: {  	[tilespmem:s11], [sflag:$0x1] =	stream.linear.gather [hbm4b:s4+s3], $0x4000, $0x38;
	[tilespmem:$0x1AC00] =	vst v63  }
0x14: {  	_ =	swait.ge [sflag:s10], $0x4000  }
0x15: {  	[sflag:s10] =	ssyncset.done $0x0  }
0x16: {  	[sflag:s10] =	ssyncadd.s32 $0xFFFFC000  }
0x17: {  	[spmem:s13], [sflag:s12] =	dma.local [hbm:s6], $0x2880  }
0x18: {  	_ =	swait.ge [sflag:s10], $0x2880  }
0x19: {  	[sflag:s10] =	ssyncset.done $0x0  }
0x1a: {  	[sflag:s10] =	ssyncadd.s32 $0xFFFFD780  }
0x1b: {  	s16 =	simm.s32 $0x14400;
	[bflag:$0x0] =	sbarrier.arrive $0xFFFF  }
0x1c: {  	[spmem:s2] =	stream.indirect.scatter.add.f32 [tilespmem:s11], [sflag:$0x1], $0x80, s16, s14, $0xb8;
	[tilespmem:$0x1AC00] =	vst v63  }
0x1d: {  	s16 =	simm.s32 $0x200;
	_ =	swait.ge [sflag:s10], $0x4000  }
.LBB2_2:
0x1e: {  	s17 =	sshra.s32 s16, $0x2;
	[sflag:s10] =	ssyncset.done $0x0;
	p0 =	sne.s32 s16, $0x9E00  }
.Ltmp0:
0x1f: {  	s17 =	sadd.s32 $0x14400, s17;
	[sflag:s10] =	ssyncadd.s32 $0xFFFFC000;
	(pc) =	sbr.rel @p0 .LBB2_2-.Ltmp0, $3  }
0x20: {  	[spmem:s2] =	stream.indirect.scatter.add.f32 [tilespmem:s11], [sflag:$0x1], $0x80, s17, s14, $0xb8;
	[tilespmem:$0x1AC00] =	vst v63  }
0x21: {  	s16 =	sadd.s32 $0x200, s16;
	_ =	sdelay $0x1  }
0x22: {  	_ =	swait.ge [sflag:s10], $0x4000  }
0x23: {  	[sflag:s10] =	ssyncset.done $0x0;
	s15 =	sadd.s32 $0x1, s15  }
0x24: {  	[sflag:s10] =	ssyncadd.s32 $0xFFFFC000;
	p0 =	sne.s32 s15, s8  }
.Ltmp1:
0x25: {  	[bflag:$0x0] =	sbarrier.arrive $0xFFFF;
	(pc) =	sbr.rel @p0 .LBB2_1-.Ltmp1, $4  }
0x26: {  	[hbm:s7], [sflag:s12] =	dma.local [spmem:s13], $0x2880  }
0x27: {  	_ =	swait.ge [sflag:s10], $0x2880  }
0x28: {  	[sflag:s10] =	ssyncset.done $0x0  }
0x29: {  	[sflag:s10] =	ssyncadd.s32 $0xFFFFD780  }
0x2a: {  	_ =	sfence.sel $0x180000  }
0x2b: {  	[bflag:$0x0] =	sbarrier.arrive $0xFFFF  }
0x2c: {  	p0 =	sne.s32 s0, $0x0;
	_ =	strace $0x90000047  }
0x2d: {  	s0 =	sadd.s32 @!p0 $0x100000, s1;
	[bflag:$0x2] =	sbarrier.arrive $0xFFFF  }
0x2e: {  	[sflag:s0] =	ssyncadd.tile.s32 @!p0 $0x1;
	_ =	shalt  }
.Lfunc_end2:
_tile_overlayer_lowered:
.L_overlay_start_2:
0x2f: {  	(tag) =	ssettag $0x2  }
0x30: {  	s0 =	rddreg [dreg:$0x0];
	s2 =	stileid.u32  }
0x31: {  	s1 =	rddreg [dreg:$0x1];
	p0 =	sne.s32 s2, $0x0  }
0x32: {  	s3 =	rddreg [dreg:$0x2];
	[bflag:$0x3] =	sbarrier.arrive $0xFFFF;
	s2 =	simm.s32 @!p0 $0x1C01  }
0x33: {  	[timem:s3], [sflag:s2] =	dma.local @!p0 [hbm:s0], s1  }
0x34: {  	s0 =	simm.s32 @!p0 $0x1  }
0x35: {  	_ =	swait.ge @!p0 [sflag:s0], s1  }
0x36: {  	s1 =	ssub.s32 @!p0 $0x0, s1;
	[sflag:s0] =	ssyncset.done @!p0 $0x0  }
0x37: {  	[sflag:s0] =	ssyncadd.s32 @!p0 s1  }
0x38: {  	[bflag:$0x3] =	sbarrier.arrive $0xFFFF  }
0x39: {  	_ =	shalt  }

</sc_bundles>
